<compile_context>
chip_gen: v7x
topology: tpu7x:2x2x1
jax: 0.10.2.dev20260603
libtpu: 0.0.44.dev20260713+nightly
codegen_flags: <defaults>
</compile_context>

<pallas_src>
import functools

import jax
import jax.numpy as jnp
from jax import lax
from jax.experimental import pallas as pl
from jax.experimental.pallas import tpu as pltpu
from jax.experimental.pallas import tpu_sc as plsc

_NC = 2
_NS = 16
_NW = _NC * _NS
_CH = 4096


@functools.lru_cache(maxsize=None)
def _make_sc_gather(B, V, D):
    assert D == _NW, (B, V, D)
    mesh = plsc.VectorSubcoreMesh(core_axis_name="c", subcore_axis_name="s")

    @functools.partial(
        pl.kernel,
        mesh=mesh,
        out_type=jax.ShapeDtypeStruct((2 * D, B), jnp.float32),
        scratch_types=[
            pltpu.VMEM((V,), jnp.float32),
            pltpu.VMEM((_CH,), jnp.int32),
            pltpu.VMEM((_CH,), jnp.int32),
            pltpu.VMEM((_CH,), jnp.float32),
            pltpu.VMEM((_CH,), jnp.float32),
            pltpu.SemaphoreType.DMA,
            pltpu.SemaphoreType.DMA,
            pltpu.SemaphoreType.DMA,
        ],
        compiler_params=pltpu.CompilerParams(
            needs_layout_passes=False, skip_device_barrier=True),
    )
    def gather_kernel(uidx_hbm, midx_hbm, utabT_hbm, mtabT_hbm, out_hbm,
                      rowbuf, idxbuf0, idxbuf1, outbuf0, outbuf1,
                      row_sem, idx_sem, out_sem):
        idxbufs = (idxbuf0, idxbuf1)
        outbufs = (outbuf0, outbuf1)
        wid = lax.axis_index("s") * _NC + lax.axis_index("c")
        n_ch = B // _CH
        out_dmas = []
        row_dma = pltpu.async_copy(utabT_hbm.at[wid], rowbuf, row_sem)
        idx_dma = pltpu.async_copy(
            uidx_hbm.at[pl.ds(0, _CH)], idxbuf0, idx_sem)
        for tower, idx_hbm in enumerate((uidx_hbm, midx_hbm)):
            row_dma.wait()
            for c in range(n_ch):
                idx_dma.wait()
                nxt = c + 1
                if nxt < n_ch:
                    idx_dma = pltpu.async_copy(
                        idx_hbm.at[pl.ds(nxt * _CH, _CH)],
                        idxbufs[nxt % 2], idx_sem)
                elif tower == 0:
                    idx_dma = pltpu.async_copy(
                        midx_hbm.at[pl.ds(0, _CH)], idxbufs[0], idx_sem)
                if len(out_dmas) >= 2:
                    out_dmas.pop(0).wait()
                ibuf = idxbufs[c % 2]
                obuf = outbufs[c % 2]

                def step(i, carry, ibuf=ibuf, obuf=obuf):
                    base = i * 64
                    for j in range(4):
                        iv = ibuf[pl.ds(base + j * 16, 16)]
                        obuf[pl.ds(base + j * 16, 16)] = plsc.load_gather(
                            rowbuf, [iv])
                    return carry

                lax.fori_loop(0, _CH // 64, step, 0)
                if tower == 0 and c == n_ch - 1:
                    row_dma = pltpu.async_copy(
                        mtabT_hbm.at[wid], rowbuf, row_sem)
                out_dmas.append(pltpu.async_copy(
                    obuf, out_hbm.at[tower * D + wid, pl.ds(c * _CH, _CH)],
                    out_sem))
        for dma in out_dmas:
            dma.wait()

    return gather_kernel


def _mlp_t_body(x_ref, w1t_ref, b1_ref, w2t_ref, b2_ref, w3t_ref, b3_ref,
                o_ref):
    h = jnp.dot(w1t_ref[...], x_ref[...], preferred_element_type=jnp.float32)
    h = jnp.maximum(h + b1_ref[...], 0.0)
    h = jnp.dot(w2t_ref[...], h, preferred_element_type=jnp.float32)
    h = jnp.maximum(h + b2_ref[...], 0.0)
    o_ref[...] = (
        jnp.dot(w3t_ref[...], h, preferred_element_type=jnp.float32)
        + b3_ref[...]
    )


@functools.lru_cache(maxsize=None)
def _make_mlp(B, D2, H, BLK):
    full = lambda shape: pl.BlockSpec(shape, lambda i: (0,) * len(shape))
    return pl.pallas_call(
        _mlp_t_body,
        grid=(B // BLK,),
        in_specs=[
            pl.BlockSpec((D2, BLK), lambda i: (0, i)),
            full((H, D2)),
            full((H, 1)),
            full((H, H)),
            full((H, 1)),
            full((1, H)),
            full((1, 1)),
        ],
        out_specs=pl.BlockSpec((1, BLK), lambda i: (0, i)),
        out_shape=jax.ShapeDtypeStruct((1, B), jnp.float32),
        compiler_params=pltpu.CompilerParams(skip_device_barrier=True),
    )


def kernel(user, movie, user_table, movie_table, W1, b1, W2, b2, W3, b3):
    B = user.shape[0]
    V, D = user_table.shape
    H = W2.shape[0]
    embT = _make_sc_gather(B, V, D)(user, movie, user_table.T, movie_table.T)
    outT = _make_mlp(B, 2 * D, H, 8192)(
        embT, W1.T, b1.reshape(H, 1), W2.T, b2.reshape(H, 1), W3.T,
        b3.reshape(1, 1))
    return outT.reshape(B, 1)

# --- scband reference (transcript-rebuilt; emitter-appended) ---
"""Pipeline reference for scband-towers-model-28011776705115 (READ-ONLY COPY).

The authoritative reference and input builder live on the scoring server;
editing this copy changes nothing except your own understanding.
"""

import jax, jax.numpy as jnp
import numpy as np

VOCAB = 100000
EMBED = 32
BATCH = 16384


def setup_inputs(seed: int = 0) -> dict:
    key = jax.random.key(seed)
    ks = jax.random.split(key, 12)
    # StringLookup(vocabulary) maps strings -> integer ids in [0, vocab]; id 0 is OOV.
    # We model the pipeline post-lookup: integer ids indexing Embedding(vocab+1, embed_dim).
    user = jax.random.randint(ks[0], (BATCH,), 0, VOCAB, dtype=jnp.int32)
    movie = jax.random.randint(ks[1], (BATCH,), 0, VOCAB, dtype=jnp.int32)
    user_table = jax.random.normal(ks[2], (VOCAB + 1, EMBED), dtype=jnp.float32) * 0.05
    movie_table = jax.random.normal(ks[3], (VOCAB + 1, EMBED), dtype=jnp.float32) * 0.05
    W1 = jax.random.normal(ks[4], (2 * EMBED, 64), dtype=jnp.float32) * 0.05
    b1 = jnp.zeros((64,), dtype=jnp.float32)
    W2 = jax.random.normal(ks[5], (64, 64), dtype=jnp.float32) * 0.05
    b2 = jnp.zeros((64,), dtype=jnp.float32)
    W3 = jax.random.normal(ks[6], (64, 1), dtype=jnp.float32) * 0.05
    b3 = jnp.zeros((1,), dtype=jnp.float32)
    return {
        "user": user,
        "movie": movie,
        "user_table": user_table,
        "movie_table": movie_table,
        "W1": W1,
        "b1": b1,
        "W2": W2,
        "b2": b2,
        "W3": W3,
        "b3": b3,
    }


def reference(user, movie, user_table, movie_table, W1, b1, W2, b2, W3, b3):
    # Embedding lookups (gather) for each tower
    user_embeds = jnp.take(user_table, user, axis=0)    # [B, EMBED]
    movie_embeds = jnp.take(movie_table, movie, axis=0)  # [B, EMBED]
    # Merge model: concat -> Dense(64, relu) -> Dense(64, relu) -> Dense(1)
    h = jnp.concatenate([user_embeds, movie_embeds], axis=-1)  # [B, 2*EMBED]
    h = jax.nn.relu(h @ W1 + b1)
    h = jax.nn.relu(h @ W2 + b2)
    out = h @ W3 + b3  # [B, 1]
    return out

if __name__ == "__main__":
    import jax
    _d = setup_inputs()
    print(jax.jit(kernel)(*tuple(_d.values())))

</pallas_src>

<mosaic_0001>
#map = affine_map<(d0, d1) -> (0)>
#map1 = affine_map<(d0, d1) -> (0, 0)>
module attributes {stable_mosaic.version = 14 : i64} {
  func.func @gather_kernel(%arg0: i32, %arg1: i32, %arg2: memref<16384xi32, #tpu.memory_space<hbm>>, %arg3: memref<16384xi32, #tpu.memory_space<hbm>>, %arg4: memref<32x100001xf32, #tpu.memory_space<hbm>>, %arg5: memref<32x100001xf32, #tpu.memory_space<hbm>>, %arg6: memref<64x16384xf32, #tpu.memory_space<hbm>>, %arg7: memref<100001xf32, #tpu.memory_space<vmem>>, %arg8: memref<4096xi32, #tpu.memory_space<vmem>>, %arg9: memref<4096xi32, #tpu.memory_space<vmem>>, %arg10: memref<4096xf32, #tpu.memory_space<vmem>>, %arg11: memref<4096xf32, #tpu.memory_space<vmem>>, %arg12: memref<!tpu.dma_semaphore, #tpu.memory_space<semaphore_mem>>, %arg13: memref<!tpu.dma_semaphore, #tpu.memory_space<semaphore_mem>>, %arg14: memref<!tpu.dma_semaphore, #tpu.memory_space<semaphore_mem>>) attributes {dimension_semantics = [#tpu.dimension_semantics<core_parallel>, #tpu.dimension_semantics<subcore_parallel>], iteration_bounds = array<i64: 2, 16>, scalar_prefetch = 0 : i64, scratch_operands = 8 : i64, tpu.core_type = #tpu.core_type<sc_vector_subcore>, window_params = [{transform_indices = #map}, {transform_indices = #map}, {transform_indices = #map1}, {transform_indices = #map1}, {transform_indices = #map1}]} {
    %mul3A = arith.constant 2 : i32
    %mul3A_0 = arith.muli %arg1, %mul3A : i32
    %add3A = arith.addi %mul3A_0, %arg0 : i32
    %dma_start3A = arith.constant 0 : i32
    %dma_start3A_1 = tpu.memref_slice %arg4[%add3A, %dma_start3A] : memref<32x100001xf32, #tpu.memory_space<hbm>> -> memref<1x100001xf32, #tpu.memory_space<hbm>>
    %dma_start3A_2 = tpu.memref_squeeze %dma_start3A_1 : memref<1x100001xf32, #tpu.memory_space<hbm>> -> memref<100001xf32, #tpu.memory_space<hbm>>
    %dma_start3A_3 = arith.constant 0 : i32
    %dma_start3A_4 = tpu.memref_slice %arg4[%add3A, %dma_start3A_3] : memref<32x100001xf32, #tpu.memory_space<hbm>> -> memref<1x100001xf32, #tpu.memory_space<hbm>>
    %dma_start3A_5 = tpu.memref_squeeze %dma_start3A_4 : memref<1x100001xf32, #tpu.memory_space<hbm>> -> memref<100001xf32, #tpu.memory_space<hbm>>
    tpu.enqueue_dma source(%dma_start3A_5 : memref<100001xf32, #tpu.memory_space<hbm>>) target(%arg7 : memref<100001xf32, #tpu.memory_space<vmem>>) target_semaphore(%arg12 : memref<!tpu.dma_semaphore, #tpu.memory_space<semaphore_mem>>)
    %dma_start3A_6 = arith.constant 0 : i32
    %dma_start3A_7 = tpu.memref_slice %arg2[%dma_start3A_6] : memref<16384xi32, #tpu.memory_space<hbm>> -> memref<4096xi32, #tpu.memory_space<hbm>>
    %dma_start3A_8 = arith.constant 0 : i32
    %dma_start3A_9 = tpu.memref_slice %arg2[%dma_start3A_8] : memref<16384xi32, #tpu.memory_space<hbm>> -> memref<4096xi32, #tpu.memory_space<hbm>>
    tpu.enqueue_dma source(%dma_start3A_9 : memref<4096xi32, #tpu.memory_space<hbm>>) target(%arg8 : memref<4096xi32, #tpu.memory_space<vmem>>) target_semaphore(%arg13 : memref<!tpu.dma_semaphore, #tpu.memory_space<semaphore_mem>>)
    %dma_wait3A = arith.constant 0 : i32
    %dma_wait3A_10 = tpu.memref_slice %arg4[%add3A, %dma_wait3A] : memref<32x100001xf32, #tpu.memory_space<hbm>> -> memref<1x100001xf32, #tpu.memory_space<hbm>>
    %dma_wait3A_11 = tpu.memref_squeeze %dma_wait3A_10 : memref<1x100001xf32, #tpu.memory_space<hbm>> -> memref<100001xf32, #tpu.memory_space<hbm>>
    %dma_wait3A_12 = arith.constant 0 : i32
    %dma_wait3A_13 = tpu.memref_slice %arg4[%add3A, %dma_wait3A_12] : memref<32x100001xf32, #tpu.memory_space<hbm>> -> memref<1x100001xf32, #tpu.memory_space<hbm>>
    %dma_wait3A_14 = tpu.memref_squeeze %dma_wait3A_13 : memref<1x100001xf32, #tpu.memory_space<hbm>> -> memref<100001xf32, #tpu.memory_space<hbm>>
    tpu.wait_dma2 semaphore(%arg12 : memref<!tpu.dma_semaphore, #tpu.memory_space<semaphore_mem>>) src(%dma_wait3A_14 : memref<100001xf32, #tpu.memory_space<hbm>>) dst(%arg7 : memref<100001xf32, #tpu.memory_space<vmem>>)
    %dma_wait3A_15 = arith.constant 0 : i32
    %dma_wait3A_16 = tpu.memref_slice %arg2[%dma_wait3A_15] : memref<16384xi32, #tpu.memory_space<hbm>> -> memref<4096xi32, #tpu.memory_space<hbm>>
    %dma_wait3A_17 = arith.constant 0 : i32
    %dma_wait3A_18 = tpu.memref_slice %arg2[%dma_wait3A_17] : memref<16384xi32, #tpu.memory_space<hbm>> -> memref<4096xi32, #tpu.memory_space<hbm>>
    tpu.wait_dma2 semaphore(%arg13 : memref<!tpu.dma_semaphore, #tpu.memory_space<semaphore_mem>>) src(%dma_wait3A_18 : memref<4096xi32, #tpu.memory_space<hbm>>) dst(%arg8 : memref<4096xi32, #tpu.memory_space<vmem>>)
    %dma_start3A_19 = arith.constant 4096 : i32
    %dma_start3A_20 = tpu.memref_slice %arg2[%dma_start3A_19] : memref<16384xi32, #tpu.memory_space<hbm>> -> memref<4096xi32, #tpu.memory_space<hbm>>
    %dma_start3A_21 = arith.constant 4096 : i32
    %dma_start3A_22 = tpu.memref_slice %arg2[%dma_start3A_21] : memref<16384xi32, #tpu.memory_space<hbm>> -> memref<4096xi32, #tpu.memory_space<hbm>>
    tpu.enqueue_dma source(%dma_start3A_22 : memref<4096xi32, #tpu.memory_space<hbm>>) target(%arg9 : memref<4096xi32, #tpu.memory_space<vmem>>) target_semaphore(%arg13 : memref<!tpu.dma_semaphore, #tpu.memory_space<semaphore_mem>>)
    %scan3A = arith.constant 0 : i32
    %scan3A_23 = arith.constant 0 : i32
    %scan3A_24 = arith.constant 64 : i32
    %scan3A_25 = arith.addi %scan3A_23, %scan3A_24 : i32
    %scan3A_26 = arith.constant 1 : i32
    scf.for %scan3A_246 = %scan3A_23 to %scan3A_25 step %scan3A_26  : i32 {
      %mul3A_247 = arith.constant 64 : i32
      %mul3A_248 = arith.muli %scan3A_246, %mul3A_247 : i32
      %add3A_249 = arith.constant 0 : i32
      %add3A_250 = arith.addi %mul3A_248, %add3A_249 : i32
      %get3A = arith.index_cast %add3A_250 : i32 to index
      %get3A_251 = tpu.vector_load %arg8[%get3A] {strides = array<i32>} : memref<4096xi32, #tpu.memory_space<vmem>>, vector<16xi32>,
      %gather3A = tpu.vector_load_idx %arg7[%get3A_251] : memref<100001xf32, #tpu.memory_space<vmem>>[vector<16xi32>], vector<16xf32>,
      %add3A_252 = arith.constant 0 : i32
      %add3A_253 = arith.addi %mul3A_248, %add3A_252 : i32
      %swap3A = arith.index_cast %add3A_253 : i32 to index
      %swap3A_254 = tpu.vector_load %arg10[%swap3A] {strides = array<i32>} : memref<4096xf32, #tpu.memory_space<vmem>>, vector<16xf32>,
      tpu.vector_store %arg10[%swap3A], %gather3A {strides = array<i32>} : memref<4096xf32, #tpu.memory_space<vmem>>, vector<16xf32>,
      %add3A_255 = arith.constant 16 : i32
      %add3A_256 = arith.addi %mul3A_248, %add3A_255 : i32
      %get3A_257 = arith.index_cast %add3A_256 : i32 to index
      %get3A_258 = tpu.vector_load %arg8[%get3A_257] {strides = array<i32>} : memref<4096xi32, #tpu.memory_space<vmem>>, vector<16xi32>,
      %gather3A_259 = tpu.vector_load_idx %arg7[%get3A_258] : memref<100001xf32, #tpu.memory_space<vmem>>[vector<16xi32>], vector<16xf32>,
      %add3A_260 = arith.constant 16 : i32
      %add3A_261 = arith.addi %mul3A_248, %add3A_260 : i32
      %swap3A_262 = arith.index_cast %add3A_261 : i32 to index
      %swap3A_263 = tpu.vector_load %arg10[%swap3A_262] {strides = array<i32>} : memref<4096xf32, #tpu.memory_space<vmem>>, vector<16xf32>,
      tpu.vector_store %arg10[%swap3A_262], %gather3A_259 {strides = array<i32>} : memref<4096xf32, #tpu.memory_space<vmem>>, vector<16xf32>,
      %add3A_264 = arith.constant 32 : i32
      %add3A_265 = arith.addi %mul3A_248, %add3A_264 : i32
      %get3A_266 = arith.index_cast %add3A_265 : i32 to index
      %get3A_267 = tpu.vector_load %arg8[%get3A_266] {strides = array<i32>} : memref<4096xi32, #tpu.memory_space<vmem>>, vector<16xi32>,
      %gather3A_268 = tpu.vector_load_idx %arg7[%get3A_267] : memref<100001xf32, #tpu.memory_space<vmem>>[vector<16xi32>], vector<16xf32>,
      %add3A_269 = arith.constant 32 : i32
      %add3A_270 = arith.addi %mul3A_248, %add3A_269 : i32
      %swap3A_271 = arith.index_cast %add3A_270 : i32 to index
      %swap3A_272 = tpu.vector_load %arg10[%swap3A_271] {strides = array<i32>} : memref<4096xf32, #tpu.memory_space<vmem>>, vector<16xf32>,
      tpu.vector_store %arg10[%swap3A_271], %gather3A_268 {strides = array<i32>} : memref<4096xf32, #tpu.memory_space<vmem>>, vector<16xf32>,
      %add3A_273 = arith.constant 48 : i32
      %add3A_274 = arith.addi %mul3A_248, %add3A_273 : i32
      %get3A_275 = arith.index_cast %add3A_274 : i32 to index
      %get3A_276 = tpu.vector_load %arg8[%get3A_275] {strides = array<i32>} : memref<4096xi32, #tpu.memory_space<vmem>>, vector<16xi32>,
      %gather3A_277 = tpu.vector_load_idx %arg7[%get3A_276] : memref<100001xf32, #tpu.memory_space<vmem>>[vector<16xi32>], vector<16xf32>,
      %add3A_278 = arith.constant 48 : i32
      %add3A_279 = arith.addi %mul3A_248, %add3A_278 : i32
      %swap3A_280 = arith.index_cast %add3A_279 : i32 to index
      %swap3A_281 = tpu.vector_load %arg10[%swap3A_280] {strides = array<i32>} : memref<4096xf32, #tpu.memory_space<vmem>>, vector<16xf32>,
      tpu.vector_store %arg10[%swap3A_280], %gather3A_277 {strides = array<i32>} : memref<4096xf32, #tpu.memory_space<vmem>>, vector<16xf32>,
    }
    %scan3A_27 = arith.constant 64 : i32
    %add3A_28 = arith.constant 0 : i32
    %add3A_29 = arith.addi %add3A_28, %add3A : i32
    %dma_start3A_30 = arith.constant 0 : i32
    %dma_start3A_31 = tpu.memref_slice %arg6[%add3A_29, %dma_start3A_30] : memref<64x16384xf32, #tpu.memory_space<hbm>> -> memref<1x4096xf32, #tpu.memory_space<hbm>>
    %dma_start3A_32 = tpu.memref_squeeze %dma_start3A_31 : memref<1x4096xf32, #tpu.memory_space<hbm>> -> memref<4096xf32, #tpu.memory_space<hbm>>
    %dma_start3A_33 = arith.constant 0 : i32
    %dma_start3A_34 = tpu.memref_slice %arg6[%add3A_29, %dma_start3A_33] : memref<64x16384xf32, #tpu.memory_space<hbm>> -> memref<1x4096xf32, #tpu.memory_space<hbm>>
    %dma_start3A_35 = tpu.memref_squeeze %dma_start3A_34 : memref<1x4096xf32, #tpu.memory_space<hbm>> -> memref<4096xf32, #tpu.memory_space<hbm>>
    tpu.enqueue_dma source(%arg10 : memref<4096xf32, #tpu.memory_space<vmem>>) target(%dma_start3A_35 : memref<4096xf32, #tpu.memory_space<hbm>>) target_semaphore(%arg14 : memref<!tpu.dma_semaphore, #tpu.memory_space<semaphore_mem>>)
    %dma_wait3A_36 = arith.constant 4096 : i32
    %dma_wait3A_37 = tpu.memref_slice %arg2[%dma_wait3A_36] : memref<16384xi32, #tpu.memory_space<hbm>> -> memref<4096xi32, #tpu.memory_space<hbm>>
    %dma_wait3A_38 = arith.constant 4096 : i32
    %dma_wait3A_39 = tpu.memref_slice %arg2[%dma_wait3A_38] : memref<16384xi32, #tpu.memory_space<hbm>> -> memref<4096xi32, #tpu.memory_space<hbm>>
    tpu.wait_dma2 semaphore(%arg13 : memref<!tpu.dma_semaphore, #tpu.memory_space<semaphore_mem>>) src(%dma_wait3A_39 : memref<4096xi32, #tpu.memory_space<hbm>>) dst(%arg9 : memref<4096xi32, #tpu.memory_space<vmem>>)
    %dma_start3A_40 = arith.constant 8192 : i32
    %dma_start3A_41 = tpu.memref_slice %arg2[%dma_start3A_40] : memref<16384xi32, #tpu.memory_space<hbm>> -> memref<4096xi32, #tpu.memory_space<hbm>>
    %dma_start3A_42 = arith.constant 8192 : i32
    %dma_start3A_43 = tpu.memref_slice %arg2[%dma_start3A_42] : memref<16384xi32, #tpu.memory_space<hbm>> -> memref<4096xi32, #tpu.memory_space<hbm>>
    tpu.enqueue_dma source(%dma_start3A_43 : memref<4096xi32, #tpu.memory_space<hbm>>) target(%arg8 : memref<4096xi32, #tpu.memory_space<vmem>>) target_semaphore(%arg13 : memref<!tpu.dma_semaphore, #tpu.memory_space<semaphore_mem>>)
    %scan3A_44 = arith.constant 0 : i32
    %scan3A_45 = arith.constant 0 : i32
    %scan3A_46 = arith.constant 64 : i32
    %scan3A_47 = arith.addi %scan3A_45, %scan3A_46 : i32
    %scan3A_48 = arith.constant 1 : i32
    scf.for %scan3A_246 = %scan3A_45 to %scan3A_47 step %scan3A_48  : i32 {
      %mul3A_247 = arith.constant 64 : i32
      %mul3A_248 = arith.muli %scan3A_246, %mul3A_247 : i32
      %add3A_249 = arith.constant 0 : i32
      %add3A_250 = arith.addi %mul3A_248, %add3A_249 : i32
      %get3A = arith.index_cast %add3A_250 : i32 to index
      %get3A_251 = tpu.vector_load %arg9[%get3A] {strides = array<i32>} : memref<4096xi32, #tpu.memory_space<vmem>>, vector<16xi32>,
      %gather3A = tpu.vector_load_idx %arg7[%get3A_251] : memref<100001xf32, #tpu.memory_space<vmem>>[vector<16xi32>], vector<16xf32>,
      %add3A_252 = arith.constant 0 : i32
      %add3A_253 = arith.addi %mul3A_248, %add3A_252 : i32
      %swap3A = arith.index_cast %add3A_253 : i32 to index
      %swap3A_254 = tpu.vector_load %arg11[%swap3A] {strides = array<i32>} : memref<4096xf32, #tpu.memory_space<vmem>>, vector<16xf32>,
      tpu.vector_store %arg11[%swap3A], %gather3A {strides = array<i32>} : memref<4096xf32, #tpu.memory_space<vmem>>, vector<16xf32>,
      %add3A_255 = arith.constant 16 : i32
      %add3A_256 = arith.addi %mul3A_248, %add3A_255 : i32
      %get3A_257 = arith.index_cast %add3A_256 : i32 to index
      %get3A_258 = tpu.vector_load %arg9[%get3A_257] {strides = array<i32>} : memref<4096xi32, #tpu.memory_space<vmem>>, vector<16xi32>,
      %gather3A_259 = tpu.vector_load_idx %arg7[%get3A_258] : memref<100001xf32, #tpu.memory_space<vmem>>[vector<16xi32>], vector<16xf32>,
      %add3A_260 = arith.constant 16 : i32
      %add3A_261 = arith.addi %mul3A_248, %add3A_260 : i32
      %swap3A_262 = arith.index_cast %add3A_261 : i32 to index
      %swap3A_263 = tpu.vector_load %arg11[%swap3A_262] {strides = array<i32>} : memref<4096xf32, #tpu.memory_space<vmem>>, vector<16xf32>,
      tpu.vector_store %arg11[%swap3A_262], %gather3A_259 {strides = array<i32>} : memref<4096xf32, #tpu.memory_space<vmem>>, vector<16xf32>,
      %add3A_264 = arith.constant 32 : i32
      %add3A_265 = arith.addi %mul3A_248, %add3A_264 : i32
      %get3A_266 = arith.index_cast %add3A_265 : i32 to index
      %get3A_267 = tpu.vector_load %arg9[%get3A_266] {strides = array<i32>} : memref<4096xi32, #tpu.memory_space<vmem>>, vector<16xi32>,
      %gather3A_268 = tpu.vector_load_idx %arg7[%get3A_267] : memref<100001xf32, #tpu.memory_space<vmem>>[vector<16xi32>], vector<16xf32>,
      %add3A_269 = arith.constant 32 : i32
      %add3A_270 = arith.addi %mul3A_248, %add3A_269 : i32
      %swap3A_271 = arith.index_cast %add3A_270 : i32 to index
      %swap3A_272 = tpu.vector_load %arg11[%swap3A_271] {strides = array<i32>} : memref<4096xf32, #tpu.memory_space<vmem>>, vector<16xf32>,
      tpu.vector_store %arg11[%swap3A_271], %gather3A_268 {strides = array<i32>} : memref<4096xf32, #tpu.memory_space<vmem>>, vector<16xf32>,
      %add3A_273 = arith.constant 48 : i32
      %add3A_274 = arith.addi %mul3A_248, %add3A_273 : i32
      %get3A_275 = arith.index_cast %add3A_274 : i32 to index
      %get3A_276 = tpu.vector_load %arg9[%get3A_275] {strides = array<i32>} : memref<4096xi32, #tpu.memory_space<vmem>>, vector<16xi32>,
      %gather3A_277 = tpu.vector_load_idx %arg7[%get3A_276] : memref<100001xf32, #tpu.memory_space<vmem>>[vector<16xi32>], vector<16xf32>,
      %add3A_278 = arith.constant 48 : i32
      %add3A_279 = arith.addi %mul3A_248, %add3A_278 : i32
      %swap3A_280 = arith.index_cast %add3A_279 : i32 to index
      %swap3A_281 = tpu.vector_load %arg11[%swap3A_280] {strides = array<i32>} : memref<4096xf32, #tpu.memory_space<vmem>>, vector<16xf32>,
      tpu.vector_store %arg11[%swap3A_280], %gather3A_277 {strides = array<i32>} : memref<4096xf32, #tpu.memory_space<vmem>>, vector<16xf32>,
    }
    %scan3A_49 = arith.constant 64 : i32
    %add3A_50 = arith.constant 0 : i32
    %add3A_51 = arith.addi %add3A_50, %add3A : i32
    %dma_start3A_52 = arith.constant 4096 : i32
    %dma_start3A_53 = tpu.memref_slice %arg6[%add3A_51, %dma_start3A_52] : memref<64x16384xf32, #tpu.memory_space<hbm>> -> memref<1x4096xf32, #tpu.memory_space<hbm>>
    %dma_start3A_54 = tpu.memref_squeeze %dma_start3A_53 : memref<1x4096xf32, #tpu.memory_space<hbm>> -> memref<4096xf32, #tpu.memory_space<hbm>>
    %dma_start3A_55 = arith.constant 4096 : i32
    %dma_start3A_56 = tpu.memref_slice %arg6[%add3A_51, %dma_start3A_55] : memref<64x16384xf32, #tpu.memory_space<hbm>> -> memref<1x4096xf32, #tpu.memory_space<hbm>>
    %dma_start3A_57 = tpu.memref_squeeze %dma_start3A_56 : memref<1x4096xf32, #tpu.memory_space<hbm>> -> memref<4096xf32, #tpu.memory_space<hbm>>
    tpu.enqueue_dma source(%arg11 : memref<4096xf32, #tpu.memory_space<vmem>>) target(%dma_start3A_57 : memref<4096xf32, #tpu.memory_space<hbm>>) target_semaphore(%arg14 : memref<!tpu.dma_semaphore, #tpu.memory_space<semaphore_mem>>)
    %dma_wait3A_58 = arith.constant 8192 : i32
    %dma_wait3A_59 = tpu.memref_slice %arg2[%dma_wait3A_58] : memref<16384xi32, #tpu.memory_space<hbm>> -> memref<4096xi32, #tpu.memory_space<hbm>>
    %dma_wait3A_60 = arith.constant 8192 : i32
    %dma_wait3A_61 = tpu.memref_slice %arg2[%dma_wait3A_60] : memref<16384xi32, #tpu.memory_space<hbm>> -> memref<4096xi32, #tpu.memory_space<hbm>>
    tpu.wait_dma2 semaphore(%arg13 : memref<!tpu.dma_semaphore, #tpu.memory_space<semaphore_mem>>) src(%dma_wait3A_61 : memref<4096xi32, #tpu.memory_space<hbm>>) dst(%arg8 : memref<4096xi32, #tpu.memory_space<vmem>>)
    %dma_start3A_62 = arith.constant 12288 : i32
    %dma_start3A_63 = tpu.memref_slice %arg2[%dma_start3A_62] : memref<16384xi32, #tpu.memory_space<hbm>> -> memref<4096xi32, #tpu.memory_space<hbm>>
    %dma_start3A_64 = arith.constant 12288 : i32
    %dma_start3A_65 = tpu.memref_slice %arg2[%dma_start3A_64] : memref<16384xi32, #tpu.memory_space<hbm>> -> memref<4096xi32, #tpu.memory_space<hbm>>
    tpu.enqueue_dma source(%dma_start3A_65 : memref<4096xi32, #tpu.memory_space<hbm>>) target(%arg9 : memref<4096xi32, #tpu.memory_space<vmem>>) target_semaphore(%arg13 : memref<!tpu.dma_semaphore, #tpu.memory_space<semaphore_mem>>)
    %dma_wait3A_66 = arith.constant 0 : i32
    %dma_wait3A_67 = tpu.memref_slice %arg6[%add3A_29, %dma_wait3A_66] : memref<64x16384xf32, #tpu.memory_space<hbm>> -> memref<1x4096xf32, #tpu.memory_space<hbm>>
    %dma_wait3A_68 = tpu.memref_squeeze %dma_wait3A_67 : memref<1x4096xf32, #tpu.memory_space<hbm>> -> memref<4096xf32, #tpu.memory_space<hbm>>
    %dma_wait3A_69 = arith.constant 0 : i32
    %dma_wait3A_70 = tpu.memref_slice %arg6[%add3A_29, %dma_wait3A_69] : memref<64x16384xf32, #tpu.memory_space<hbm>> -> memref<1x4096xf32, #tpu.memory_space<hbm>>
    %dma_wait3A_71 = tpu.memref_squeeze %dma_wait3A_70 : memref<1x4096xf32, #tpu.memory_space<hbm>> -> memref<4096xf32, #tpu.memory_space<hbm>>
    tpu.wait_dma2 semaphore(%arg14 : memref<!tpu.dma_semaphore, #tpu.memory_space<semaphore_mem>>) src(%arg10 : memref<4096xf32, #tpu.memory_space<vmem>>) dst(%dma_wait3A_71 : memref<4096xf32, #tpu.memory_space<hbm>>)
    %scan3A_72 = arith.constant 0 : i32
    %scan3A_73 = arith.constant 0 : i32
    %scan3A_74 = arith.constant 64 : i32
    %scan3A_75 = arith.addi %scan3A_73, %scan3A_74 : i32
    %scan3A_76 = arith.constant 1 : i32
    scf.for %scan3A_246 = %scan3A_73 to %scan3A_75 step %scan3A_76  : i32 {
      %mul3A_247 = arith.constant 64 : i32
      %mul3A_248 = arith.muli %scan3A_246, %mul3A_247 : i32
      %add3A_249 = arith.constant 0 : i32
      %add3A_250 = arith.addi %mul3A_248, %add3A_249 : i32
      %get3A = arith.index_cast %add3A_250 : i32 to index
      %get3A_251 = tpu.vector_load %arg8[%get3A] {strides = array<i32>} : memref<4096xi32, #tpu.memory_space<vmem>>, vector<16xi32>,
      %gather3A = tpu.vector_load_idx %arg7[%get3A_251] : memref<100001xf32, #tpu.memory_space<vmem>>[vector<16xi32>], vector<16xf32>,
      %add3A_252 = arith.constant 0 : i32
      %add3A_253 = arith.addi %mul3A_248, %add3A_252 : i32
      %swap3A = arith.index_cast %add3A_253 : i32 to index
      %swap3A_254 = tpu.vector_load %arg10[%swap3A] {strides = array<i32>} : memref<4096xf32, #tpu.memory_space<vmem>>, vector<16xf32>,
      tpu.vector_store %arg10[%swap3A], %gather3A {strides = array<i32>} : memref<4096xf32, #tpu.memory_space<vmem>>, vector<16xf32>,
      %add3A_255 = arith.constant 16 : i32
      %add3A_256 = arith.addi %mul3A_248, %add3A_255 : i32
      %get3A_257 = arith.index_cast %add3A_256 : i32 to index
      %get3A_258 = tpu.vector_load %arg8[%get3A_257] {strides = array<i32>} : memref<4096xi32, #tpu.memory_space<vmem>>, vector<16xi32>,
      %gather3A_259 = tpu.vector_load_idx %arg7[%get3A_258] : memref<100001xf32, #tpu.memory_space<vmem>>[vector<16xi32>], vector<16xf32>,
      %add3A_260 = arith.constant 16 : i32
      %add3A_261 = arith.addi %mul3A_248, %add3A_260 : i32
      %swap3A_262 = arith.index_cast %add3A_261 : i32 to index
      %swap3A_263 = tpu.vector_load %arg10[%swap3A_262] {strides = array<i32>} : memref<4096xf32, #tpu.memory_space<vmem>>, vector<16xf32>,
      tpu.vector_store %arg10[%swap3A_262], %gather3A_259 {strides = array<i32>} : memref<4096xf32, #tpu.memory_space<vmem>>, vector<16xf32>,
      %add3A_264 = arith.constant 32 : i32
      %add3A_265 = arith.addi %mul3A_248, %add3A_264 : i32
      %get3A_266 = arith.index_cast %add3A_265 : i32 to index
      %get3A_267 = tpu.vector_load %arg8[%get3A_266] {strides = array<i32>} : memref<4096xi32, #tpu.memory_space<vmem>>, vector<16xi32>,
      %gather3A_268 = tpu.vector_load_idx %arg7[%get3A_267] : memref<100001xf32, #tpu.memory_space<vmem>>[vector<16xi32>], vector<16xf32>,
      %add3A_269 = arith.constant 32 : i32
      %add3A_270 = arith.addi %mul3A_248, %add3A_269 : i32
      %swap3A_271 = arith.index_cast %add3A_270 : i32 to index
      %swap3A_272 = tpu.vector_load %arg10[%swap3A_271] {strides = array<i32>} : memref<4096xf32, #tpu.memory_space<vmem>>, vector<16xf32>,
      tpu.vector_store %arg10[%swap3A_271], %gather3A_268 {strides = array<i32>} : memref<4096xf32, #tpu.memory_space<vmem>>, vector<16xf32>,
      %add3A_273 = arith.constant 48 : i32
      %add3A_274 = arith.addi %mul3A_248, %add3A_273 : i32
      %get3A_275 = arith.index_cast %add3A_274 : i32 to index
      %get3A_276 = tpu.vector_load %arg8[%get3A_275] {strides = array<i32>} : memref<4096xi32, #tpu.memory_space<vmem>>, vector<16xi32>,
      %gather3A_277 = tpu.vector_load_idx %arg7[%get3A_276] : memref<100001xf32, #tpu.memory_space<vmem>>[vector<16xi32>], vector<16xf32>,
      %add3A_278 = arith.constant 48 : i32
      %add3A_279 = arith.addi %mul3A_248, %add3A_278 : i32
      %swap3A_280 = arith.index_cast %add3A_279 : i32 to index
      %swap3A_281 = tpu.vector_load %arg10[%swap3A_280] {strides = array<i32>} : memref<4096xf32, #tpu.memory_space<vmem>>, vector<16xf32>,
      tpu.vector_store %arg10[%swap3A_280], %gather3A_277 {strides = array<i32>} : memref<4096xf32, #tpu.memory_space<vmem>>, vector<16xf32>,
    }
    %scan3A_77 = arith.constant 64 : i32
    %add3A_78 = arith.constant 0 : i32
    %add3A_79 = arith.addi %add3A_78, %add3A : i32
    %dma_start3A_80 = arith.constant 8192 : i32
    %dma_start3A_81 = tpu.memref_slice %arg6[%add3A_79, %dma_start3A_80] : memref<64x16384xf32, #tpu.memory_space<hbm>> -> memref<1x4096xf32, #tpu.memory_space<hbm>>
    %dma_start3A_82 = tpu.memref_squeeze %dma_start3A_81 : memref<1x4096xf32, #tpu.memory_space<hbm>> -> memref<4096xf32, #tpu.memory_space<hbm>>
    %dma_start3A_83 = arith.constant 8192 : i32
    %dma_start3A_84 = tpu.memref_slice %arg6[%add3A_79, %dma_start3A_83] : memref<64x16384xf32, #tpu.memory_space<hbm>> -> memref<1x4096xf32, #tpu.memory_space<hbm>>
    %dma_start3A_85 = tpu.memref_squeeze %dma_start3A_84 : memref<1x4096xf32, #tpu.memory_space<hbm>> -> memref<4096xf32, #tpu.memory_space<hbm>>
    tpu.enqueue_dma source(%arg10 : memref<4096xf32, #tpu.memory_space<vmem>>) target(%dma_start3A_85 : memref<4096xf32, #tpu.memory_space<hbm>>) target_semaphore(%arg14 : memref<!tpu.dma_semaphore, #tpu.memory_space<semaphore_mem>>)
    %dma_wait3A_86 = arith.constant 12288 : i32
    %dma_wait3A_87 = tpu.memref_slice %arg2[%dma_wait3A_86] : memref<16384xi32, #tpu.memory_space<hbm>> -> memref<4096xi32, #tpu.memory_space<hbm>>
    %dma_wait3A_88 = arith.constant 12288 : i32
    %dma_wait3A_89 = tpu.memref_slice %arg2[%dma_wait3A_88] : memref<16384xi32, #tpu.memory_space<hbm>> -> memref<4096xi32, #tpu.memory_space<hbm>>
    tpu.wait_dma2 semaphore(%arg13 : memref<!tpu.dma_semaphore, #tpu.memory_space<semaphore_mem>>) src(%dma_wait3A_89 : memref<4096xi32, #tpu.memory_space<hbm>>) dst(%arg9 : memref<4096xi32, #tpu.memory_space<vmem>>)
    %dma_start3A_90 = arith.constant 0 : i32
    %dma_start3A_91 = tpu.memref_slice %arg3[%dma_start3A_90] : memref<16384xi32, #tpu.memory_space<hbm>> -> memref<4096xi32, #tpu.memory_space<hbm>>
    %dma_start3A_92 = arith.constant 0 : i32
    %dma_start3A_93 = tpu.memref_slice %arg3[%dma_start3A_92] : memref<16384xi32, #tpu.memory_space<hbm>> -> memref<4096xi32, #tpu.memory_space<hbm>>
    tpu.enqueue_dma source(%dma_start3A_93 : memref<4096xi32, #tpu.memory_space<hbm>>) target(%arg8 : memref<4096xi32, #tpu.memory_space<vmem>>) target_semaphore(%arg13 : memref<!tpu.dma_semaphore, #tpu.memory_space<semaphore_mem>>)
    %dma_wait3A_94 = arith.constant 4096 : i32
    %dma_wait3A_95 = tpu.memref_slice %arg6[%add3A_51, %dma_wait3A_94] : memref<64x16384xf32, #tpu.memory_space<hbm>> -> memref<1x4096xf32, #tpu.memory_space<hbm>>
    %dma_wait3A_96 = tpu.memref_squeeze %dma_wait3A_95 : memref<1x4096xf32, #tpu.memory_space<hbm>> -> memref<4096xf32, #tpu.memory_space<hbm>>
    %dma_wait3A_97 = arith.constant 4096 : i32
    %dma_wait3A_98 = tpu.memref_slice %arg6[%add3A_51, %dma_wait3A_97] : memref<64x16384xf32, #tpu.memory_space<hbm>> -> memref<1x4096xf32, #tpu.memory_space<hbm>>
    %dma_wait3A_99 = tpu.memref_squeeze %dma_wait3A_98 : memref<1x4096xf32, #tpu.memory_space<hbm>> -> memref<4096xf32, #tpu.memory_space<hbm>>
    tpu.wait_dma2 semaphore(%arg14 : memref<!tpu.dma_semaphore, #tpu.memory_space<semaphore_mem>>) src(%arg11 : memref<4096xf32, #tpu.memory_space<vmem>>) dst(%dma_wait3A_99 : memref<4096xf32, #tpu.memory_space<hbm>>)
    %scan3A_100 = arith.constant 0 : i32
    %scan3A_101 = arith.constant 0 : i32
    %scan3A_102 = arith.constant 64 : i32
    %scan3A_103 = arith.addi %scan3A_101, %scan3A_102 : i32
    %scan3A_104 = arith.constant 1 : i32
    scf.for %scan3A_246 = %scan3A_101 to %scan3A_103 step %scan3A_104  : i32 {
      %mul3A_247 = arith.constant 64 : i32
      %mul3A_248 = arith.muli %scan3A_246, %mul3A_247 : i32
      %add3A_249 = arith.constant 0 : i32
      %add3A_250 = arith.addi %mul3A_248, %add3A_249 : i32
      %get3A = arith.index_cast %add3A_250 : i32 to index
      %get3A_251 = tpu.vector_load %arg9[%get3A] {strides = array<i32>} : memref<4096xi32, #tpu.memory_space<vmem>>, vector<16xi32>,
      %gather3A = tpu.vector_load_idx %arg7[%get3A_251] : memref<100001xf32, #tpu.memory_space<vmem>>[vector<16xi32>], vector<16xf32>,
      %add3A_252 = arith.constant 0 : i32
      %add3A_253 = arith.addi %mul3A_248, %add3A_252 : i32
      %swap3A = arith.index_cast %add3A_253 : i32 to index
      %swap3A_254 = tpu.vector_load %arg11[%swap3A] {strides = array<i32>} : memref<4096xf32, #tpu.memory_space<vmem>>, vector<16xf32>,
      tpu.vector_store %arg11[%swap3A], %gather3A {strides = array<i32>} : memref<4096xf32, #tpu.memory_space<vmem>>, vector<16xf32>,
      %add3A_255 = arith.constant 16 : i32
      %add3A_256 = arith.addi %mul3A_248, %add3A_255 : i32
      %get3A_257 = arith.index_cast %add3A_256 : i32 to index
      %get3A_258 = tpu.vector_load %arg9[%get3A_257] {strides = array<i32>} : memref<4096xi32, #tpu.memory_space<vmem>>, vector<16xi32>,
      %gather3A_259 = tpu.vector_load_idx %arg7[%get3A_258] : memref<100001xf32, #tpu.memory_space<vmem>>[vector<16xi32>], vector<16xf32>,
      %add3A_260 = arith.constant 16 : i32
      %add3A_261 = arith.addi %mul3A_248, %add3A_260 : i32
      %swap3A_262 = arith.index_cast %add3A_261 : i32 to index
      %swap3A_263 = tpu.vector_load %arg11[%swap3A_262] {strides = array<i32>} : memref<4096xf32, #tpu.memory_space<vmem>>, vector<16xf32>,
      tpu.vector_store %arg11[%swap3A_262], %gather3A_259 {strides = array<i32>} : memref<4096xf32, #tpu.memory_space<vmem>>, vector<16xf32>,
      %add3A_264 = arith.constant 32 : i32
      %add3A_265 = arith.addi %mul3A_248, %add3A_264 : i32
      %get3A_266 = arith.index_cast %add3A_265 : i32 to index
      %get3A_267 = tpu.vector_load %arg9[%get3A_266] {strides = array<i32>} : memref<4096xi32, #tpu.memory_space<vmem>>, vector<16xi32>,
      %gather3A_268 = tpu.vector_load_idx %arg7[%get3A_267] : memref<100001xf32, #tpu.memory_space<vmem>>[vector<16xi32>], vector<16xf32>,
      %add3A_269 = arith.constant 32 : i32
      %add3A_270 = arith.addi %mul3A_248, %add3A_269 : i32
      %swap3A_271 = arith.index_cast %add3A_270 : i32 to index
      %swap3A_272 = tpu.vector_load %arg11[%swap3A_271] {strides = array<i32>} : memref<4096xf32, #tpu.memory_space<vmem>>, vector<16xf32>,
      tpu.vector_store %arg11[%swap3A_271], %gather3A_268 {strides = array<i32>} : memref<4096xf32, #tpu.memory_space<vmem>>, vector<16xf32>,
      %add3A_273 = arith.constant 48 : i32
      %add3A_274 = arith.addi %mul3A_248, %add3A_273 : i32
      %get3A_275 = arith.index_cast %add3A_274 : i32 to index
      %get3A_276 = tpu.vector_load %arg9[%get3A_275] {strides = array<i32>} : memref<4096xi32, #tpu.memory_space<vmem>>, vector<16xi32>,
      %gather3A_277 = tpu.vector_load_idx %arg7[%get3A_276] : memref<100001xf32, #tpu.memory_space<vmem>>[vector<16xi32>], vector<16xf32>,
      %add3A_278 = arith.constant 48 : i32
      %add3A_279 = arith.addi %mul3A_248, %add3A_278 : i32
      %swap3A_280 = arith.index_cast %add3A_279 : i32 to index
      %swap3A_281 = tpu.vector_load %arg11[%swap3A_280] {strides = array<i32>} : memref<4096xf32, #tpu.memory_space<vmem>>, vector<16xf32>,
      tpu.vector_store %arg11[%swap3A_280], %gather3A_277 {strides = array<i32>} : memref<4096xf32, #tpu.memory_space<vmem>>, vector<16xf32>,
    }
    %scan3A_105 = arith.constant 64 : i32
    %dma_start3A_106 = arith.constant 0 : i32
    %dma_start3A_107 = tpu.memref_slice %arg5[%add3A, %dma_start3A_106] : memref<32x100001xf32, #tpu.memory_space<hbm>> -> memref<1x100001xf32, #tpu.memory_space<hbm>>
    %dma_start3A_108 = tpu.memref_squeeze %dma_start3A_107 : memref<1x100001xf32, #tpu.memory_space<hbm>> -> memref<100001xf32, #tpu.memory_space<hbm>>
    %dma_start3A_109 = arith.constant 0 : i32
    %dma_start3A_110 = tpu.memref_slice %arg5[%add3A, %dma_start3A_109] : memref<32x100001xf32, #tpu.memory_space<hbm>> -> memref<1x100001xf32, #tpu.memory_space<hbm>>
    %dma_start3A_111 = tpu.memref_squeeze %dma_start3A_110 : memref<1x100001xf32, #tpu.memory_space<hbm>> -> memref<100001xf32, #tpu.memory_space<hbm>>
    tpu.enqueue_dma source(%dma_start3A_111 : memref<100001xf32, #tpu.memory_space<hbm>>) target(%arg7 : memref<100001xf32, #tpu.memory_space<vmem>>) target_semaphore(%arg12 : memref<!tpu.dma_semaphore, #tpu.memory_space<semaphore_mem>>)
    %add3A_112 = arith.constant 0 : i32
    %add3A_113 = arith.addi %add3A_112, %add3A : i32
    %dma_start3A_114 = arith.constant 12288 : i32
    %dma_start3A_115 = tpu.memref_slice %arg6[%add3A_113, %dma_start3A_114] : memref<64x16384xf32, #tpu.memory_space<hbm>> -> memref<1x4096xf32, #tpu.memory_space<hbm>>
    %dma_start3A_116 = tpu.memref_squeeze %dma_start3A_115 : memref<1x4096xf32, #tpu.memory_space<hbm>> -> memref<4096xf32, #tpu.memory_space<hbm>>
    %dma_start3A_117 = arith.constant 12288 : i32
    %dma_start3A_118 = tpu.memref_slice %arg6[%add3A_113, %dma_start3A_117] : memref<64x16384xf32, #tpu.memory_space<hbm>> -> memref<1x4096xf32, #tpu.memory_space<hbm>>
    %dma_start3A_119 = tpu.memref_squeeze %dma_start3A_118 : memref<1x4096xf32, #tpu.memory_space<hbm>> -> memref<4096xf32, #tpu.memory_space<hbm>>
    tpu.enqueue_dma source(%arg11 : memref<4096xf32, #tpu.memory_space<vmem>>) target(%dma_start3A_119 : memref<4096xf32, #tpu.memory_space<hbm>>) target_semaphore(%arg14 : memref<!tpu.dma_semaphore, #tpu.memory_space<semaphore_mem>>)
    %dma_wait3A_120 = arith.constant 0 : i32
    %dma_wait3A_121 = tpu.memref_slice %arg5[%add3A, %dma_wait3A_120] : memref<32x100001xf32, #tpu.memory_space<hbm>> -> memref<1x100001xf32, #tpu.memory_space<hbm>>
    %dma_wait3A_122 = tpu.memref_squeeze %dma_wait3A_121 : memref<1x100001xf32, #tpu.memory_space<hbm>> -> memref<100001xf32, #tpu.memory_space<hbm>>
    %dma_wait3A_123 = arith.constant 0 : i32
    %dma_wait3A_124 = tpu.memref_slice %arg5[%add3A, %dma_wait3A_123] : memref<32x100001xf32, #tpu.memory_space<hbm>> -> memref<1x100001xf32, #tpu.memory_space<hbm>>
    %dma_wait3A_125 = tpu.memref_squeeze %dma_wait3A_124 : memref<1x100001xf32, #tpu.memory_space<hbm>> -> memref<100001xf32, #tpu.memory_space<hbm>>
    tpu.wait_dma2 semaphore(%arg12 : memref<!tpu.dma_semaphore, #tpu.memory_space<semaphore_mem>>) src(%dma_wait3A_125 : memref<100001xf32, #tpu.memory_space<hbm>>) dst(%arg7 : memref<100001xf32, #tpu.memory_space<vmem>>)
    %dma_wait3A_126 = arith.constant 0 : i32
    %dma_wait3A_127 = tpu.memref_slice %arg3[%dma_wait3A_126] : memref<16384xi32, #tpu.memory_space<hbm>> -> memref<4096xi32, #tpu.memory_space<hbm>>
    %dma_wait3A_128 = arith.constant 0 : i32
    %dma_wait3A_129 = tpu.memref_slice %arg3[%dma_wait3A_128] : memref<16384xi32, #tpu.memory_space<hbm>> -> memref<4096xi32, #tpu.memory_space<hbm>>
    tpu.wait_dma2 semaphore(%arg13 : memref<!tpu.dma_semaphore, #tpu.memory_space<semaphore_mem>>) src(%dma_wait3A_129 : memref<4096xi32, #tpu.memory_space<hbm>>) dst(%arg8 : memref<4096xi32, #tpu.memory_space<vmem>>)
    %dma_start3A_130 = arith.constant 4096 : i32
    %dma_start3A_131 = tpu.memref_slice %arg3[%dma_start3A_130] : memref<16384xi32, #tpu.memory_space<hbm>> -> memref<4096xi32, #tpu.memory_space<hbm>>
    %dma_start3A_132 = arith.constant 4096 : i32
    %dma_start3A_133 = tpu.memref_slice %arg3[%dma_start3A_132] : memref<16384xi32, #tpu.memory_space<hbm>> -> memref<4096xi32, #tpu.memory_space<hbm>>
    tpu.enqueue_dma source(%dma_start3A_133 : memref<4096xi32, #tpu.memory_space<hbm>>) target(%arg9 : memref<4096xi32, #tpu.memory_space<vmem>>) target_semaphore(%arg13 : memref<!tpu.dma_semaphore, #tpu.memory_space<semaphore_mem>>)
    %dma_wait3A_134 = arith.constant 8192 : i32
    %dma_wait3A_135 = tpu.memref_slice %arg6[%add3A_79, %dma_wait3A_134] : memref<64x16384xf32, #tpu.memory_space<hbm>> -> memref<1x4096xf32, #tpu.memory_space<hbm>>
    %dma_wait3A_136 = tpu.memref_squeeze %dma_wait3A_135 : memref<1x4096xf32, #tpu.memory_space<hbm>> -> memref<4096xf32, #tpu.memory_space<hbm>>
    %dma_wait3A_137 = arith.constant 8192 : i32
    %dma_wait3A_138 = tpu.memref_slice %arg6[%add3A_79, %dma_wait3A_137] : memref<64x16384xf32, #tpu.memory_space<hbm>> -> memref<1x4096xf32, #tpu.memory_space<hbm>>
    %dma_wait3A_139 = tpu.memref_squeeze %dma_wait3A_138 : memref<1x4096xf32, #tpu.memory_space<hbm>> -> memref<4096xf32, #tpu.memory_space<hbm>>
    tpu.wait_dma2 semaphore(%arg14 : memref<!tpu.dma_semaphore, #tpu.memory_space<semaphore_mem>>) src(%arg10 : memref<4096xf32, #tpu.memory_space<vmem>>) dst(%dma_wait3A_139 : memref<4096xf32, #tpu.memory_space<hbm>>)
    %scan3A_140 = arith.constant 0 : i32
    %scan3A_141 = arith.constant 0 : i32
    %scan3A_142 = arith.constant 64 : i32
    %scan3A_143 = arith.addi %scan3A_141, %scan3A_142 : i32
    %scan3A_144 = arith.constant 1 : i32
    scf.for %scan3A_246 = %scan3A_141 to %scan3A_143 step %scan3A_144  : i32 {
      %mul3A_247 = arith.constant 64 : i32
      %mul3A_248 = arith.muli %scan3A_246, %mul3A_247 : i32
      %add3A_249 = arith.constant 0 : i32
      %add3A_250 = arith.addi %mul3A_248, %add3A_249 : i32
      %get3A = arith.index_cast %add3A_250 : i32 to index
      %get3A_251 = tpu.vector_load %arg8[%get3A] {strides = array<i32>} : memref<4096xi32, #tpu.memory_space<vmem>>, vector<16xi32>,
      %gather3A = tpu.vector_load_idx %arg7[%get3A_251] : memref<100001xf32, #tpu.memory_space<vmem>>[vector<16xi32>], vector<16xf32>,
      %add3A_252 = arith.constant 0 : i32
      %add3A_253 = arith.addi %mul3A_248, %add3A_252 : i32
      %swap3A = arith.index_cast %add3A_253 : i32 to index
      %swap3A_254 = tpu.vector_load %arg10[%swap3A] {strides = array<i32>} : memref<4096xf32, #tpu.memory_space<vmem>>, vector<16xf32>,
      tpu.vector_store %arg10[%swap3A], %gather3A {strides = array<i32>} : memref<4096xf32, #tpu.memory_space<vmem>>, vector<16xf32>,
      %add3A_255 = arith.constant 16 : i32
      %add3A_256 = arith.addi %mul3A_248, %add3A_255 : i32
      %get3A_257 = arith.index_cast %add3A_256 : i32 to index
      %get3A_258 = tpu.vector_load %arg8[%get3A_257] {strides = array<i32>} : memref<4096xi32, #tpu.memory_space<vmem>>, vector<16xi32>,
      %gather3A_259 = tpu.vector_load_idx %arg7[%get3A_258] : memref<100001xf32, #tpu.memory_space<vmem>>[vector<16xi32>], vector<16xf32>,
      %add3A_260 = arith.constant 16 : i32
      %add3A_261 = arith.addi %mul3A_248, %add3A_260 : i32
      %swap3A_262 = arith.index_cast %add3A_261 : i32 to index
      %swap3A_263 = tpu.vector_load %arg10[%swap3A_262] {strides = array<i32>} : memref<4096xf32, #tpu.memory_space<vmem>>, vector<16xf32>,
      tpu.vector_store %arg10[%swap3A_262], %gather3A_259 {strides = array<i32>} : memref<4096xf32, #tpu.memory_space<vmem>>, vector<16xf32>,
      %add3A_264 = arith.constant 32 : i32
      %add3A_265 = arith.addi %mul3A_248, %add3A_264 : i32
      %get3A_266 = arith.index_cast %add3A_265 : i32 to index
      %get3A_267 = tpu.vector_load %arg8[%get3A_266] {strides = array<i32>} : memref<4096xi32, #tpu.memory_space<vmem>>, vector<16xi32>,
      %gather3A_268 = tpu.vector_load_idx %arg7[%get3A_267] : memref<100001xf32, #tpu.memory_space<vmem>>[vector<16xi32>], vector<16xf32>,
      %add3A_269 = arith.constant 32 : i32
      %add3A_270 = arith.addi %mul3A_248, %add3A_269 : i32
      %swap3A_271 = arith.index_cast %add3A_270 : i32 to index
      %swap3A_272 = tpu.vector_load %arg10[%swap3A_271] {strides = array<i32>} : memref<4096xf32, #tpu.memory_space<vmem>>, vector<16xf32>,
      tpu.vector_store %arg10[%swap3A_271], %gather3A_268 {strides = array<i32>} : memref<4096xf32, #tpu.memory_space<vmem>>, vector<16xf32>,
      %add3A_273 = arith.constant 48 : i32
      %add3A_274 = arith.addi %mul3A_248, %add3A_273 : i32
      %get3A_275 = arith.index_cast %add3A_274 : i32 to index
      %get3A_276 = tpu.vector_load %arg8[%get3A_275] {strides = array<i32>} : memref<4096xi32, #tpu.memory_space<vmem>>, vector<16xi32>,
      %gather3A_277 = tpu.vector_load_idx %arg7[%get3A_276] : memref<100001xf32, #tpu.memory_space<vmem>>[vector<16xi32>], vector<16xf32>,
      %add3A_278 = arith.constant 48 : i32
      %add3A_279 = arith.addi %mul3A_248, %add3A_278 : i32
      %swap3A_280 = arith.index_cast %add3A_279 : i32 to index
      %swap3A_281 = tpu.vector_load %arg10[%swap3A_280] {strides = array<i32>} : memref<4096xf32, #tpu.memory_space<vmem>>, vector<16xf32>,
      tpu.vector_store %arg10[%swap3A_280], %gather3A_277 {strides = array<i32>} : memref<4096xf32, #tpu.memory_space<vmem>>, vector<16xf32>,
    }
    %scan3A_145 = arith.constant 64 : i32
    %add3A_146 = arith.constant 32 : i32
    %add3A_147 = arith.addi %add3A_146, %add3A : i32
    %dma_start3A_148 = arith.constant 0 : i32
    %dma_start3A_149 = tpu.memref_slice %arg6[%add3A_147, %dma_start3A_148] : memref<64x16384xf32, #tpu.memory_space<hbm>> -> memref<1x4096xf32, #tpu.memory_space<hbm>>
    %dma_start3A_150 = tpu.memref_squeeze %dma_start3A_149 : memref<1x4096xf32, #tpu.memory_space<hbm>> -> memref<4096xf32, #tpu.memory_space<hbm>>
    %dma_start3A_151 = arith.constant 0 : i32
    %dma_start3A_152 = tpu.memref_slice %arg6[%add3A_147, %dma_start3A_151] : memref<64x16384xf32, #tpu.memory_space<hbm>> -> memref<1x4096xf32, #tpu.memory_space<hbm>>
    %dma_start3A_153 = tpu.memref_squeeze %dma_start3A_152 : memref<1x4096xf32, #tpu.memory_space<hbm>> -> memref<4096xf32, #tpu.memory_space<hbm>>
    tpu.enqueue_dma source(%arg10 : memref<4096xf32, #tpu.memory_space<vmem>>) target(%dma_start3A_153 : memref<4096xf32, #tpu.memory_space<hbm>>) target_semaphore(%arg14 : memref<!tpu.dma_semaphore, #tpu.memory_space<semaphore_mem>>)
    %dma_wait3A_154 = arith.constant 4096 : i32
    %dma_wait3A_155 = tpu.memref_slice %arg3[%dma_wait3A_154] : memref<16384xi32, #tpu.memory_space<hbm>> -> memref<4096xi32, #tpu.memory_space<hbm>>
    %dma_wait3A_156 = arith.constant 4096 : i32
    %dma_wait3A_157 = tpu.memref_slice %arg3[%dma_wait3A_156] : memref<16384xi32, #tpu.memory_space<hbm>> -> memref<4096xi32, #tpu.memory_space<hbm>>
    tpu.wait_dma2 semaphore(%arg13 : memref<!tpu.dma_semaphore, #tpu.memory_space<semaphore_mem>>) src(%dma_wait3A_157 : memref<4096xi32, #tpu.memory_space<hbm>>) dst(%arg9 : memref<4096xi32, #tpu.memory_space<vmem>>)
    %dma_start3A_158 = arith.constant 8192 : i32
    %dma_start3A_159 = tpu.memref_slice %arg3[%dma_start3A_158] : memref<16384xi32, #tpu.memory_space<hbm>> -> memref<4096xi32, #tpu.memory_space<hbm>>
    %dma_start3A_160 = arith.constant 8192 : i32
    %dma_start3A_161 = tpu.memref_slice %arg3[%dma_start3A_160] : memref<16384xi32, #tpu.memory_space<hbm>> -> memref<4096xi32, #tpu.memory_space<hbm>>
    tpu.enqueue_dma source(%dma_start3A_161 : memref<4096xi32, #tpu.memory_space<hbm>>) target(%arg8 : memref<4096xi32, #tpu.memory_space<vmem>>) target_semaphore(%arg13 : memref<!tpu.dma_semaphore, #tpu.memory_space<semaphore_mem>>)
    %dma_wait3A_162 = arith.constant 12288 : i32
    %dma_wait3A_163 = tpu.memref_slice %arg6[%add3A_113, %dma_wait3A_162] : memref<64x16384xf32, #tpu.memory_space<hbm>> -> memref<1x4096xf32, #tpu.memory_space<hbm>>
    %dma_wait3A_164 = tpu.memref_squeeze %dma_wait3A_163 : memref<1x4096xf32, #tpu.memory_space<hbm>> -> memref<4096xf32, #tpu.memory_space<hbm>>
    %dma_wait3A_165 = arith.constant 12288 : i32
    %dma_wait3A_166 = tpu.memref_slice %arg6[%add3A_113, %dma_wait3A_165] : memref<64x16384xf32, #tpu.memory_space<hbm>> -> memref<1x4096xf32, #tpu.memory_space<hbm>>
    %dma_wait3A_167 = tpu.memref_squeeze %dma_wait3A_166 : memref<1x4096xf32, #tpu.memory_space<hbm>> -> memref<4096xf32, #tpu.memory_space<hbm>>
    tpu.wait_dma2 semaphore(%arg14 : memref<!tpu.dma_semaphore, #tpu.memory_space<semaphore_mem>>) src(%arg11 : memref<4096xf32, #tpu.memory_space<vmem>>) dst(%dma_wait3A_167 : memref<4096xf32, #tpu.memory_space<hbm>>)
    %scan3A_168 = arith.constant 0 : i32
    %scan3A_169 = arith.constant 0 : i32
    %scan3A_170 = arith.constant 64 : i32
    %scan3A_171 = arith.addi %scan3A_169, %scan3A_170 : i32
    %scan3A_172 = arith.constant 1 : i32
    scf.for %scan3A_246 = %scan3A_169 to %scan3A_171 step %scan3A_172  : i32 {
      %mul3A_247 = arith.constant 64 : i32
      %mul3A_248 = arith.muli %scan3A_246, %mul3A_247 : i32
      %add3A_249 = arith.constant 0 : i32
      %add3A_250 = arith.addi %mul3A_248, %add3A_249 : i32
      %get3A = arith.index_cast %add3A_250 : i32 to index
      %get3A_251 = tpu.vector_load %arg9[%get3A] {strides = array<i32>} : memref<4096xi32, #tpu.memory_space<vmem>>, vector<16xi32>,
      %gather3A = tpu.vector_load_idx %arg7[%get3A_251] : memref<100001xf32, #tpu.memory_space<vmem>>[vector<16xi32>], vector<16xf32>,
      %add3A_252 = arith.constant 0 : i32
      %add3A_253 = arith.addi %mul3A_248, %add3A_252 : i32
      %swap3A = arith.index_cast %add3A_253 : i32 to index
      %swap3A_254 = tpu.vector_load %arg11[%swap3A] {strides = array<i32>} : memref<4096xf32, #tpu.memory_space<vmem>>, vector<16xf32>,
      tpu.vector_store %arg11[%swap3A], %gather3A {strides = array<i32>} : memref<4096xf32, #tpu.memory_space<vmem>>, vector<16xf32>,
      %add3A_255 = arith.constant 16 : i32
      %add3A_256 = arith.addi %mul3A_248, %add3A_255 : i32
      %get3A_257 = arith.index_cast %add3A_256 : i32 to index
      %get3A_258 = tpu.vector_load %arg9[%get3A_257] {strides = array<i32>} : memref<4096xi32, #tpu.memory_space<vmem>>, vector<16xi32>,
      %gather3A_259 = tpu.vector_load_idx %arg7[%get3A_258] : memref<100001xf32, #tpu.memory_space<vmem>>[vector<16xi32>], vector<16xf32>,
      %add3A_260 = arith.constant 16 : i32
      %add3A_261 = arith.addi %mul3A_248, %add3A_260 : i32
      %swap3A_262 = arith.index_cast %add3A_261 : i32 to index
      %swap3A_263 = tpu.vector_load %arg11[%swap3A_262] {strides = array<i32>} : memref<4096xf32, #tpu.memory_space<vmem>>, vector<16xf32>,
      tpu.vector_store %arg11[%swap3A_262], %gather3A_259 {strides = array<i32>} : memref<4096xf32, #tpu.memory_space<vmem>>, vector<16xf32>,
      %add3A_264 = arith.constant 32 : i32
      %add3A_265 = arith.addi %mul3A_248, %add3A_264 : i32
      %get3A_266 = arith.index_cast %add3A_265 : i32 to index
      %get3A_267 = tpu.vector_load %arg9[%get3A_266] {strides = array<i32>} : memref<4096xi32, #tpu.memory_space<vmem>>, vector<16xi32>,
      %gather3A_268 = tpu.vector_load_idx %arg7[%get3A_267] : memref<100001xf32, #tpu.memory_space<vmem>>[vector<16xi32>], vector<16xf32>,
      %add3A_269 = arith.constant 32 : i32
      %add3A_270 = arith.addi %mul3A_248, %add3A_269 : i32
      %swap3A_271 = arith.index_cast %add3A_270 : i32 to index
      %swap3A_272 = tpu.vector_load %arg11[%swap3A_271] {strides = array<i32>} : memref<4096xf32, #tpu.memory_space<vmem>>, vector<16xf32>,
      tpu.vector_store %arg11[%swap3A_271], %gather3A_268 {strides = array<i32>} : memref<4096xf32, #tpu.memory_space<vmem>>, vector<16xf32>,
      %add3A_273 = arith.constant 48 : i32
      %add3A_274 = arith.addi %mul3A_248, %add3A_273 : i32
      %get3A_275 = arith.index_cast %add3A_274 : i32 to index
      %get3A_276 = tpu.vector_load %arg9[%get3A_275] {strides = array<i32>} : memref<4096xi32, #tpu.memory_space<vmem>>, vector<16xi32>,
      %gather3A_277 = tpu.vector_load_idx %arg7[%get3A_276] : memref<100001xf32, #tpu.memory_space<vmem>>[vector<16xi32>], vector<16xf32>,
      %add3A_278 = arith.constant 48 : i32
      %add3A_279 = arith.addi %mul3A_248, %add3A_278 : i32
      %swap3A_280 = arith.index_cast %add3A_279 : i32 to index
      %swap3A_281 = tpu.vector_load %arg11[%swap3A_280] {strides = array<i32>} : memref<4096xf32, #tpu.memory_space<vmem>>, vector<16xf32>,
      tpu.vector_store %arg11[%swap3A_280], %gather3A_277 {strides = array<i32>} : memref<4096xf32, #tpu.memory_space<vmem>>, vector<16xf32>,
    }
    %scan3A_173 = arith.constant 64 : i32
    %add3A_174 = arith.constant 32 : i32
    %add3A_175 = arith.addi %add3A_174, %add3A : i32
    %dma_start3A_176 = arith.constant 4096 : i32
    %dma_start3A_177 = tpu.memref_slice %arg6[%add3A_175, %dma_start3A_176] : memref<64x16384xf32, #tpu.memory_space<hbm>> -> memref<1x4096xf32, #tpu.memory_space<hbm>>
    %dma_start3A_178 = tpu.memref_squeeze %dma_start3A_177 : memref<1x4096xf32, #tpu.memory_space<hbm>> -> memref<4096xf32, #tpu.memory_space<hbm>>
    %dma_start3A_179 = arith.constant 4096 : i32
    %dma_start3A_180 = tpu.memref_slice %arg6[%add3A_175, %dma_start3A_179] : memref<64x16384xf32, #tpu.memory_space<hbm>> -> memref<1x4096xf32, #tpu.memory_space<hbm>>
    %dma_start3A_181 = tpu.memref_squeeze %dma_start3A_180 : memref<1x4096xf32, #tpu.memory_space<hbm>> -> memref<4096xf32, #tpu.memory_space<hbm>>
    tpu.enqueue_dma source(%arg11 : memref<4096xf32, #tpu.memory_space<vmem>>) target(%dma_start3A_181 : memref<4096xf32, #tpu.memory_space<hbm>>) target_semaphore(%arg14 : memref<!tpu.dma_semaphore, #tpu.memory_space<semaphore_mem>>)
    %dma_wait3A_182 = arith.constant 8192 : i32
    %dma_wait3A_183 = tpu.memref_slice %arg3[%dma_wait3A_182] : memref<16384xi32, #tpu.memory_space<hbm>> -> memref<4096xi32, #tpu.memory_space<hbm>>
    %dma_wait3A_184 = arith.constant 8192 : i32
    %dma_wait3A_185 = tpu.memref_slice %arg3[%dma_wait3A_184] : memref<16384xi32, #tpu.memory_space<hbm>> -> memref<4096xi32, #tpu.memory_space<hbm>>
    tpu.wait_dma2 semaphore(%arg13 : memref<!tpu.dma_semaphore, #tpu.memory_space<semaphore_mem>>) src(%dma_wait3A_185 : memref<4096xi32, #tpu.memory_space<hbm>>) dst(%arg8 : memref<4096xi32, #tpu.memory_space<vmem>>)
    %dma_start3A_186 = arith.constant 12288 : i32
    %dma_start3A_187 = tpu.memref_slice %arg3[%dma_start3A_186] : memref<16384xi32, #tpu.memory_space<hbm>> -> memref<4096xi32, #tpu.memory_space<hbm>>
    %dma_start3A_188 = arith.constant 12288 : i32
    %dma_start3A_189 = tpu.memref_slice %arg3[%dma_start3A_188] : memref<16384xi32, #tpu.memory_space<hbm>> -> memref<4096xi32, #tpu.memory_space<hbm>>
    tpu.enqueue_dma source(%dma_start3A_189 : memref<4096xi32, #tpu.memory_space<hbm>>) target(%arg9 : memref<4096xi32, #tpu.memory_space<vmem>>) target_semaphore(%arg13 : memref<!tpu.dma_semaphore, #tpu.memory_space<semaphore_mem>>)
    %dma_wait3A_190 = arith.constant 0 : i32
    %dma_wait3A_191 = tpu.memref_slice %arg6[%add3A_147, %dma_wait3A_190] : memref<64x16384xf32, #tpu.memory_space<hbm>> -> memref<1x4096xf32, #tpu.memory_space<hbm>>
    %dma_wait3A_192 = tpu.memref_squeeze %dma_wait3A_191 : memref<1x4096xf32, #tpu.memory_space<hbm>> -> memref<4096xf32, #tpu.memory_space<hbm>>
    %dma_wait3A_193 = arith.constant 0 : i32
    %dma_wait3A_194 = tpu.memref_slice %arg6[%add3A_147, %dma_wait3A_193] : memref<64x16384xf32, #tpu.memory_space<hbm>> -> memref<1x4096xf32, #tpu.memory_space<hbm>>
    %dma_wait3A_195 = tpu.memref_squeeze %dma_wait3A_194 : memref<1x4096xf32, #tpu.memory_space<hbm>> -> memref<4096xf32, #tpu.memory_space<hbm>>
    tpu.wait_dma2 semaphore(%arg14 : memref<!tpu.dma_semaphore, #tpu.memory_space<semaphore_mem>>) src(%arg10 : memref<4096xf32, #tpu.memory_space<vmem>>) dst(%dma_wait3A_195 : memref<4096xf32, #tpu.memory_space<hbm>>)
    %scan3A_196 = arith.constant 0 : i32
    %scan3A_197 = arith.constant 0 : i32
    %scan3A_198 = arith.constant 64 : i32
    %scan3A_199 = arith.addi %scan3A_197, %scan3A_198 : i32
    %scan3A_200 = arith.constant 1 : i32
    scf.for %scan3A_246 = %scan3A_197 to %scan3A_199 step %scan3A_200  : i32 {
      %mul3A_247 = arith.constant 64 : i32
      %mul3A_248 = arith.muli %scan3A_246, %mul3A_247 : i32
      %add3A_249 = arith.constant 0 : i32
      %add3A_250 = arith.addi %mul3A_248, %add3A_249 : i32
      %get3A = arith.index_cast %add3A_250 : i32 to index
      %get3A_251 = tpu.vector_load %arg8[%get3A] {strides = array<i32>} : memref<4096xi32, #tpu.memory_space<vmem>>, vector<16xi32>,
      %gather3A = tpu.vector_load_idx %arg7[%get3A_251] : memref<100001xf32, #tpu.memory_space<vmem>>[vector<16xi32>], vector<16xf32>,
      %add3A_252 = arith.constant 0 : i32
      %add3A_253 = arith.addi %mul3A_248, %add3A_252 : i32
      %swap3A = arith.index_cast %add3A_253 : i32 to index
      %swap3A_254 = tpu.vector_load %arg10[%swap3A] {strides = array<i32>} : memref<4096xf32, #tpu.memory_space<vmem>>, vector<16xf32>,
      tpu.vector_store %arg10[%swap3A], %gather3A {strides = array<i32>} : memref<4096xf32, #tpu.memory_space<vmem>>, vector<16xf32>,
      %add3A_255 = arith.constant 16 : i32
      %add3A_256 = arith.addi %mul3A_248, %add3A_255 : i32
      %get3A_257 = arith.index_cast %add3A_256 : i32 to index
      %get3A_258 = tpu.vector_load %arg8[%get3A_257] {strides = array<i32>} : memref<4096xi32, #tpu.memory_space<vmem>>, vector<16xi32>,
      %gather3A_259 = tpu.vector_load_idx %arg7[%get3A_258] : memref<100001xf32, #tpu.memory_space<vmem>>[vector<16xi32>], vector<16xf32>,
      %add3A_260 = arith.constant 16 : i32
      %add3A_261 = arith.addi %mul3A_248, %add3A_260 : i32
      %swap3A_262 = arith.index_cast %add3A_261 : i32 to index
      %swap3A_263 = tpu.vector_load %arg10[%swap3A_262] {strides = array<i32>} : memref<4096xf32, #tpu.memory_space<vmem>>, vector<16xf32>,
      tpu.vector_store %arg10[%swap3A_262], %gather3A_259 {strides = array<i32>} : memref<4096xf32, #tpu.memory_space<vmem>>, vector<16xf32>,
      %add3A_264 = arith.constant 32 : i32
      %add3A_265 = arith.addi %mul3A_248, %add3A_264 : i32
      %get3A_266 = arith.index_cast %add3A_265 : i32 to index
      %get3A_267 = tpu.vector_load %arg8[%get3A_266] {strides = array<i32>} : memref<4096xi32, #tpu.memory_space<vmem>>, vector<16xi32>,
      %gather3A_268 = tpu.vector_load_idx %arg7[%get3A_267] : memref<100001xf32, #tpu.memory_space<vmem>>[vector<16xi32>], vector<16xf32>,
      %add3A_269 = arith.constant 32 : i32
      %add3A_270 = arith.addi %mul3A_248, %add3A_269 : i32
      %swap3A_271 = arith.index_cast %add3A_270 : i32 to index
      %swap3A_272 = tpu.vector_load %arg10[%swap3A_271] {strides = array<i32>} : memref<4096xf32, #tpu.memory_space<vmem>>, vector<16xf32>,
      tpu.vector_store %arg10[%swap3A_271], %gather3A_268 {strides = array<i32>} : memref<4096xf32, #tpu.memory_space<vmem>>, vector<16xf32>,
      %add3A_273 = arith.constant 48 : i32
      %add3A_274 = arith.addi %mul3A_248, %add3A_273 : i32
      %get3A_275 = arith.index_cast %add3A_274 : i32 to index
      %get3A_276 = tpu.vector_load %arg8[%get3A_275] {strides = array<i32>} : memref<4096xi32, #tpu.memory_space<vmem>>, vector<16xi32>,
      %gather3A_277 = tpu.vector_load_idx %arg7[%get3A_276] : memref<100001xf32, #tpu.memory_space<vmem>>[vector<16xi32>], vector<16xf32>,
      %add3A_278 = arith.constant 48 : i32
      %add3A_279 = arith.addi %mul3A_248, %add3A_278 : i32
      %swap3A_280 = arith.index_cast %add3A_279 : i32 to index
      %swap3A_281 = tpu.vector_load %arg10[%swap3A_280] {strides = array<i32>} : memref<4096xf32, #tpu.memory_space<vmem>>, vector<16xf32>,
      tpu.vector_store %arg10[%swap3A_280], %gather3A_277 {strides = array<i32>} : memref<4096xf32, #tpu.memory_space<vmem>>, vector<16xf32>,
    }
    %scan3A_201 = arith.constant 64 : i32
    %add3A_202 = arith.constant 32 : i32
    %add3A_203 = arith.addi %add3A_202, %add3A : i32
    %dma_start3A_204 = arith.constant 8192 : i32
    %dma_start3A_205 = tpu.memref_slice %arg6[%add3A_203, %dma_start3A_204] : memref<64x16384xf32, #tpu.memory_space<hbm>> -> memref<1x4096xf32, #tpu.memory_space<hbm>>
    %dma_start3A_206 = tpu.memref_squeeze %dma_start3A_205 : memref<1x4096xf32, #tpu.memory_space<hbm>> -> memref<4096xf32, #tpu.memory_space<hbm>>
    %dma_start3A_207 = arith.constant 8192 : i32
    %dma_start3A_208 = tpu.memref_slice %arg6[%add3A_203, %dma_start3A_207] : memref<64x16384xf32, #tpu.memory_space<hbm>> -> memref<1x4096xf32, #tpu.memory_space<hbm>>
    %dma_start3A_209 = tpu.memref_squeeze %dma_start3A_208 : memref<1x4096xf32, #tpu.memory_space<hbm>> -> memref<4096xf32, #tpu.memory_space<hbm>>
    tpu.enqueue_dma source(%arg10 : memref<4096xf32, #tpu.memory_space<vmem>>) target(%dma_start3A_209 : memref<4096xf32, #tpu.memory_space<hbm>>) target_semaphore(%arg14 : memref<!tpu.dma_semaphore, #tpu.memory_space<semaphore_mem>>)
    %dma_wait3A_210 = arith.constant 12288 : i32
    %dma_wait3A_211 = tpu.memref_slice %arg3[%dma_wait3A_210] : memref<16384xi32, #tpu.memory_space<hbm>> -> memref<4096xi32, #tpu.memory_space<hbm>>
    %dma_wait3A_212 = arith.constant 12288 : i32
    %dma_wait3A_213 = tpu.memref_slice %arg3[%dma_wait3A_212] : memref<16384xi32, #tpu.memory_space<hbm>> -> memref<4096xi32, #tpu.memory_space<hbm>>
    tpu.wait_dma2 semaphore(%arg13 : memref<!tpu.dma_semaphore, #tpu.memory_space<semaphore_mem>>) src(%dma_wait3A_213 : memref<4096xi32, #tpu.memory_space<hbm>>) dst(%arg9 : memref<4096xi32, #tpu.memory_space<vmem>>)
    %dma_wait3A_214 = arith.constant 4096 : i32
    %dma_wait3A_215 = tpu.memref_slice %arg6[%add3A_175, %dma_wait3A_214] : memref<64x16384xf32, #tpu.memory_space<hbm>> -> memref<1x4096xf32, #tpu.memory_space<hbm>>
    %dma_wait3A_216 = tpu.memref_squeeze %dma_wait3A_215 : memref<1x4096xf32, #tpu.memory_space<hbm>> -> memref<4096xf32, #tpu.memory_space<hbm>>
    %dma_wait3A_217 = arith.constant 4096 : i32
    %dma_wait3A_218 = tpu.memref_slice %arg6[%add3A_175, %dma_wait3A_217] : memref<64x16384xf32, #tpu.memory_space<hbm>> -> memref<1x4096xf32, #tpu.memory_space<hbm>>
    %dma_wait3A_219 = tpu.memref_squeeze %dma_wait3A_218 : memref<1x4096xf32, #tpu.memory_space<hbm>> -> memref<4096xf32, #tpu.memory_space<hbm>>
    tpu.wait_dma2 semaphore(%arg14 : memref<!tpu.dma_semaphore, #tpu.memory_space<semaphore_mem>>) src(%arg11 : memref<4096xf32, #tpu.memory_space<vmem>>) dst(%dma_wait3A_219 : memref<4096xf32, #tpu.memory_space<hbm>>)
    %scan3A_220 = arith.constant 0 : i32
    %scan3A_221 = arith.constant 0 : i32
    %scan3A_222 = arith.constant 64 : i32
    %scan3A_223 = arith.addi %scan3A_221, %scan3A_222 : i32
    %scan3A_224 = arith.constant 1 : i32
    scf.for %scan3A_246 = %scan3A_221 to %scan3A_223 step %scan3A_224  : i32 {
      %mul3A_247 = arith.constant 64 : i32
      %mul3A_248 = arith.muli %scan3A_246, %mul3A_247 : i32
      %add3A_249 = arith.constant 0 : i32
      %add3A_250 = arith.addi %mul3A_248, %add3A_249 : i32
      %get3A = arith.index_cast %add3A_250 : i32 to index
      %get3A_251 = tpu.vector_load %arg9[%get3A] {strides = array<i32>} : memref<4096xi32, #tpu.memory_space<vmem>>, vector<16xi32>,
      %gather3A = tpu.vector_load_idx %arg7[%get3A_251] : memref<100001xf32, #tpu.memory_space<vmem>>[vector<16xi32>], vector<16xf32>,
      %add3A_252 = arith.constant 0 : i32
      %add3A_253 = arith.addi %mul3A_248, %add3A_252 : i32
      %swap3A = arith.index_cast %add3A_253 : i32 to index
      %swap3A_254 = tpu.vector_load %arg11[%swap3A] {strides = array<i32>} : memref<4096xf32, #tpu.memory_space<vmem>>, vector<16xf32>,
      tpu.vector_store %arg11[%swap3A], %gather3A {strides = array<i32>} : memref<4096xf32, #tpu.memory_space<vmem>>, vector<16xf32>,
      %add3A_255 = arith.constant 16 : i32
      %add3A_256 = arith.addi %mul3A_248, %add3A_255 : i32
      %get3A_257 = arith.index_cast %add3A_256 : i32 to index
      %get3A_258 = tpu.vector_load %arg9[%get3A_257] {strides = array<i32>} : memref<4096xi32, #tpu.memory_space<vmem>>, vector<16xi32>,
      %gather3A_259 = tpu.vector_load_idx %arg7[%get3A_258] : memref<100001xf32, #tpu.memory_space<vmem>>[vector<16xi32>], vector<16xf32>,
      %add3A_260 = arith.constant 16 : i32
      %add3A_261 = arith.addi %mul3A_248, %add3A_260 : i32
      %swap3A_262 = arith.index_cast %add3A_261 : i32 to index
      %swap3A_263 = tpu.vector_load %arg11[%swap3A_262] {strides = array<i32>} : memref<4096xf32, #tpu.memory_space<vmem>>, vector<16xf32>,
      tpu.vector_store %arg11[%swap3A_262], %gather3A_259 {strides = array<i32>} : memref<4096xf32, #tpu.memory_space<vmem>>, vector<16xf32>,
      %add3A_264 = arith.constant 32 : i32
      %add3A_265 = arith.addi %mul3A_248, %add3A_264 : i32
      %get3A_266 = arith.index_cast %add3A_265 : i32 to index
      %get3A_267 = tpu.vector_load %arg9[%get3A_266] {strides = array<i32>} : memref<4096xi32, #tpu.memory_space<vmem>>, vector<16xi32>,
      %gather3A_268 = tpu.vector_load_idx %arg7[%get3A_267] : memref<100001xf32, #tpu.memory_space<vmem>>[vector<16xi32>], vector<16xf32>,
      %add3A_269 = arith.constant 32 : i32
      %add3A_270 = arith.addi %mul3A_248, %add3A_269 : i32
      %swap3A_271 = arith.index_cast %add3A_270 : i32 to index
      %swap3A_272 = tpu.vector_load %arg11[%swap3A_271] {strides = array<i32>} : memref<4096xf32, #tpu.memory_space<vmem>>, vector<16xf32>,
      tpu.vector_store %arg11[%swap3A_271], %gather3A_268 {strides = array<i32>} : memref<4096xf32, #tpu.memory_space<vmem>>, vector<16xf32>,
      %add3A_273 = arith.constant 48 : i32
      %add3A_274 = arith.addi %mul3A_248, %add3A_273 : i32
      %get3A_275 = arith.index_cast %add3A_274 : i32 to index
      %get3A_276 = tpu.vector_load %arg9[%get3A_275] {strides = array<i32>} : memref<4096xi32, #tpu.memory_space<vmem>>, vector<16xi32>,
      %gather3A_277 = tpu.vector_load_idx %arg7[%get3A_276] : memref<100001xf32, #tpu.memory_space<vmem>>[vector<16xi32>], vector<16xf32>,
      %add3A_278 = arith.constant 48 : i32
      %add3A_279 = arith.addi %mul3A_248, %add3A_278 : i32
      %swap3A_280 = arith.index_cast %add3A_279 : i32 to index
      %swap3A_281 = tpu.vector_load %arg11[%swap3A_280] {strides = array<i32>} : memref<4096xf32, #tpu.memory_space<vmem>>, vector<16xf32>,
      tpu.vector_store %arg11[%swap3A_280], %gather3A_277 {strides = array<i32>} : memref<4096xf32, #tpu.memory_space<vmem>>, vector<16xf32>,
    }
    %scan3A_225 = arith.constant 64 : i32
    %add3A_226 = arith.constant 32 : i32
    %add3A_227 = arith.addi %add3A_226, %add3A : i32
    %dma_start3A_228 = arith.constant 12288 : i32
    %dma_start3A_229 = tpu.memref_slice %arg6[%add3A_227, %dma_start3A_228] : memref<64x16384xf32, #tpu.memory_space<hbm>> -> memref<1x4096xf32, #tpu.memory_space<hbm>>
    %dma_start3A_230 = tpu.memref_squeeze %dma_start3A_229 : memref<1x4096xf32, #tpu.memory_space<hbm>> -> memref<4096xf32, #tpu.memory_space<hbm>>
    %dma_start3A_231 = arith.constant 12288 : i32
    %dma_start3A_232 = tpu.memref_slice %arg6[%add3A_227, %dma_start3A_231] : memref<64x16384xf32, #tpu.memory_space<hbm>> -> memref<1x4096xf32, #tpu.memory_space<hbm>>
    %dma_start3A_233 = tpu.memref_squeeze %dma_start3A_232 : memref<1x4096xf32, #tpu.memory_space<hbm>> -> memref<4096xf32, #tpu.memory_space<hbm>>
    tpu.enqueue_dma source(%arg11 : memref<4096xf32, #tpu.memory_space<vmem>>) target(%dma_start3A_233 : memref<4096xf32, #tpu.memory_space<hbm>>) target_semaphore(%arg14 : memref<!tpu.dma_semaphore, #tpu.memory_space<semaphore_mem>>)
    %dma_wait3A_234 = arith.constant 8192 : i32
    %dma_wait3A_235 = tpu.memref_slice %arg6[%add3A_203, %dma_wait3A_234] : memref<64x16384xf32, #tpu.memory_space<hbm>> -> memref<1x4096xf32, #tpu.memory_space<hbm>>
    %dma_wait3A_236 = tpu.memref_squeeze %dma_wait3A_235 : memref<1x4096xf32, #tpu.memory_space<hbm>> -> memref<4096xf32, #tpu.memory_space<hbm>>
    %dma_wait3A_237 = arith.constant 8192 : i32
    %dma_wait3A_238 = tpu.memref_slice %arg6[%add3A_203, %dma_wait3A_237] : memref<64x16384xf32, #tpu.memory_space<hbm>> -> memref<1x4096xf32, #tpu.memory_space<hbm>>
    %dma_wait3A_239 = tpu.memref_squeeze %dma_wait3A_238 : memref<1x4096xf32, #tpu.memory_space<hbm>> -> memref<4096xf32, #tpu.memory_space<hbm>>
    tpu.wait_dma2 semaphore(%arg14 : memref<!tpu.dma_semaphore, #tpu.memory_space<semaphore_mem>>) src(%arg10 : memref<4096xf32, #tpu.memory_space<vmem>>) dst(%dma_wait3A_239 : memref<4096xf32, #tpu.memory_space<hbm>>)
    %dma_wait3A_240 = arith.constant 12288 : i32
    %dma_wait3A_241 = tpu.memref_slice %arg6[%add3A_227, %dma_wait3A_240] : memref<64x16384xf32, #tpu.memory_space<hbm>> -> memref<1x4096xf32, #tpu.memory_space<hbm>>
    %dma_wait3A_242 = tpu.memref_squeeze %dma_wait3A_241 : memref<1x4096xf32, #tpu.memory_space<hbm>> -> memref<4096xf32, #tpu.memory_space<hbm>>
    %dma_wait3A_243 = arith.constant 12288 : i32
    %dma_wait3A_244 = tpu.memref_slice %arg6[%add3A_227, %dma_wait3A_243] : memref<64x16384xf32, #tpu.memory_space<hbm>> -> memref<1x4096xf32, #tpu.memory_space<hbm>>
    %dma_wait3A_245 = tpu.memref_squeeze %dma_wait3A_244 : memref<1x4096xf32, #tpu.memory_space<hbm>> -> memref<4096xf32, #tpu.memory_space<hbm>>
    tpu.wait_dma2 semaphore(%arg14 : memref<!tpu.dma_semaphore, #tpu.memory_space<semaphore_mem>>) src(%arg11 : memref<4096xf32, #tpu.memory_space<vmem>>) dst(%dma_wait3A_245 : memref<4096xf32, #tpu.memory_space<hbm>>)
    return
  }
}

module attributes {stable_mosaic.version = 14 : i64} {
  func.func @_mlp_t_body(%arg0: i32, %arg1: memref<64x8192xf32, #tpu.memory_space<vmem>>, %arg2: memref<64x64xf32, #tpu.memory_space<vmem>>, %arg3: memref<64x1xf32, #tpu.memory_space<vmem>>, %arg4: memref<64x64xf32, #tpu.memory_space<vmem>>, %arg5: memref<64x1xf32, #tpu.memory_space<vmem>>, %arg6: memref<1x64xf32, #tpu.memory_space<vmem>>, %arg7: memref<1x1xf32, #tpu.memory_space<vmem>>, %arg8: memref<1x8192xf32, #tpu.memory_space<vmem>>) attributes {dimension_semantics = [#tpu.dimension_semantics<arbitrary>], iteration_bounds = array<i64: 2>, scalar_prefetch = 0 : i64, scratch_operands = 0 : i64, tpu.core_type = #tpu.core_type<tc>, window_params = [{transform_indices = @transform_0, window_bounds = array<i64: 64, 8192>}, {pipeline_mode = #tpu.pipeline_mode<synchronous>, transform_indices = @transform_1, window_bounds = array<i64: 64, 64>}, {pipeline_mode = #tpu.pipeline_mode<synchronous>, transform_indices = @transform_2, window_bounds = array<i64: 64, 1>}, {pipeline_mode = #tpu.pipeline_mode<synchronous>, transform_indices = @transform_3, window_bounds = array<i64: 64, 64>}, {pipeline_mode = #tpu.pipeline_mode<synchronous>, transform_indices = @transform_4, window_bounds = array<i64: 64, 1>}, {pipeline_mode = #tpu.pipeline_mode<synchronous>, transform_indices = @transform_5, window_bounds = array<i64: 1, 64>}, {pipeline_mode = #tpu.pipeline_mode<synchronous>, transform_indices = @transform_6, window_bounds = array<i64: 1, 1>}, {transform_indices = @transform_7, window_bounds = array<i64: 1, 8192>}]} {
    %get3A = arith.constant 0 : index
    %get3A_0 = arith.constant 0 : index
    %get3A_1 = vector.load %arg2[%get3A, %get3A_0] : memref<64x64xf32, #tpu.memory_space<vmem>>, vector<64x64xf32>
    %get3A_2 = arith.constant 0 : index
    %get3A_3 = arith.constant 0 : index
    %get3A_4 = vector.load %arg1[%get3A_2, %get3A_3] : memref<64x8192xf32, #tpu.memory_space<vmem>>, vector<64x8192xf32>
    %dot_general3A = arith.constant dense<0.000000e+00> : vector<64x8192xf32>
    %dot_general3A_5 = tpu.matmul %get3A_1, %get3A_4, %dot_general3A {dimension_numbers = #tpu.dot_dimension_numbers<[1], [0], [0], [1], [0, 0, 1, 1], [], []>, transpose_lhs_hint = false} : vector<64x64xf32>, vector<64x8192xf32>, vector<64x8192xf32> -> vector<64x8192xf32>
    %get3A_6 = arith.constant 0 : index
    %get3A_7 = arith.constant 0 : index
    %get3A_8 = vector.load %arg3[%get3A_6, %get3A_7] : memref<64x1xf32, #tpu.memory_space<vmem>>, vector<64x1xf32>
    %add3A = vector.broadcast %get3A_8 : vector<64x1xf32> to vector<64x8192xf32>
    %add3A_9 = arith.addf %dot_general3A_5, %add3A : vector<64x8192xf32>
    %max3A = arith.constant 0.000000e+00 : f32
    %max3A_10 = vector.broadcast %max3A : f32 to vector<64x8192xf32>
    %max3A_11 = arith.maximumf %add3A_9, %max3A_10 : vector<64x8192xf32>
    %get3A_12 = arith.constant 0 : index
    %get3A_13 = arith.constant 0 : index
    %get3A_14 = vector.load %arg4[%get3A_12, %get3A_13] : memref<64x64xf32, #tpu.memory_space<vmem>>, vector<64x64xf32>
    %dot_general3A_15 = arith.constant dense<0.000000e+00> : vector<64x8192xf32>
    %dot_general3A_16 = tpu.matmul %get3A_14, %max3A_11, %dot_general3A_15 {dimension_numbers = #tpu.dot_dimension_numbers<[1], [0], [0], [1], [0, 0, 1, 1], [], []>, transpose_lhs_hint = false} : vector<64x64xf32>, vector<64x8192xf32>, vector<64x8192xf32> -> vector<64x8192xf32>
    %get3A_17 = arith.constant 0 : index
    %get3A_18 = arith.constant 0 : index
    %get3A_19 = vector.load %arg5[%get3A_17, %get3A_18] : memref<64x1xf32, #tpu.memory_space<vmem>>, vector<64x1xf32>
    %add3A_20 = vector.broadcast %get3A_19 : vector<64x1xf32> to vector<64x8192xf32>
    %add3A_21 = arith.addf %dot_general3A_16, %add3A_20 : vector<64x8192xf32>
    %max3A_22 = arith.constant 0.000000e+00 : f32
    %max3A_23 = vector.broadcast %max3A_22 : f32 to vector<64x8192xf32>
    %max3A_24 = arith.maximumf %add3A_21, %max3A_23 : vector<64x8192xf32>
    %get3A_25 = arith.constant 0 : index
    %get3A_26 = arith.constant 0 : index
    %get3A_27 = vector.load %arg6[%get3A_25, %get3A_26] : memref<1x64xf32, #tpu.memory_space<vmem>>, vector<1x64xf32>
    %dot_general3A_28 = arith.constant dense<0.000000e+00> : vector<1x8192xf32>
    %dot_general3A_29 = tpu.matmul %get3A_27, %max3A_24, %dot_general3A_28 {dimension_numbers = #tpu.dot_dimension_numbers<[1], [0], [0], [1], [0, 0, 1, 1], [], []>, transpose_lhs_hint = false} : vector<1x64xf32>, vector<64x8192xf32>, vector<1x8192xf32> -> vector<1x8192xf32>
    %get3A_30 = arith.constant 0 : index
    %get3A_31 = arith.constant 0 : index
    %get3A_32 = vector.load %arg7[%get3A_30, %get3A_31] : memref<1x1xf32, #tpu.memory_space<vmem>>, vector<1x1xf32>
    %add3A_33 = vector.broadcast %get3A_32 : vector<1x1xf32> to vector<1x8192xf32>
    %add3A_34 = arith.addf %dot_general3A_29, %add3A_33 : vector<1x8192xf32>
    %swap3A = arith.constant 0 : index
    %swap3A_35 = arith.constant 0 : index
    %swap3A_36 = vector.load %arg8[%swap3A, %swap3A_35] : memref<1x8192xf32, #tpu.memory_space<vmem>>, vector<1x8192xf32>
    tpu.vector_store %arg8[%swap3A, %swap3A_35], %add3A_34 {strides = array<i32>} : memref<1x8192xf32, #tpu.memory_space<vmem>>, vector<1x8192xf32>,
    return
  }
  func.func @transform_0(%arg0: i32) -> (i32, i32) {
    %c0_i32 = arith.constant 0 : i32
    %c0_i32_0 = arith.constant 0 : i32
    return %c0_i32, %arg0 : i32, i32
  }
  func.func @transform_1(%arg0: i32) -> (i32, i32) {
    %c0_i32 = arith.constant 0 : i32
    %c0_i32_0 = arith.constant 0 : i32
    %c0_i32_1 = arith.constant 0 : i32
    return %c0_i32, %c0_i32_0 : i32, i32
  }
  func.func @transform_2(%arg0: i32) -> (i32, i32) {
    %c0_i32 = arith.constant 0 : i32
    %c0_i32_0 = arith.constant 0 : i32
    %c0_i32_1 = arith.constant 0 : i32
    return %c0_i32, %c0_i32_0 : i32, i32
  }
  func.func @transform_3(%arg0: i32) -> (i32, i32) {
    %c0_i32 = arith.constant 0 : i32
    %c0_i32_0 = arith.constant 0 : i32
    %c0_i32_1 = arith.constant 0 : i32
    return %c0_i32, %c0_i32_0 : i32, i32
  }
  func.func @transform_4(%arg0: i32) -> (i32, i32) {
    %c0_i32 = arith.constant 0 : i32
    %c0_i32_0 = arith.constant 0 : i32
    %c0_i32_1 = arith.constant 0 : i32
    return %c0_i32, %c0_i32_0 : i32, i32
  }
  func.func @transform_5(%arg0: i32) -> (i32, i32) {
    %c0_i32 = arith.constant 0 : i32
    %c0_i32_0 = arith.constant 0 : i32
    %c0_i32_1 = arith.constant 0 : i32
    return %c0_i32, %c0_i32_0 : i32, i32
  }
  func.func @transform_6(%arg0: i32) -> (i32, i32) {
    %c0_i32 = arith.constant 0 : i32
    %c0_i32_0 = arith.constant 0 : i32
    %c0_i32_1 = arith.constant 0 : i32
    return %c0_i32, %c0_i32_0 : i32, i32
  }
  func.func @transform_7(%arg0: i32) -> (i32, i32) {
    %c0_i32 = arith.constant 0 : i32
    %c0_i32_0 = arith.constant 0 : i32
    return %c0_i32, %arg0 : i32, i32
  }
}

</mosaic_0001>

<sc_bundles>
// kernel: kernel.4.cloned.1.call-start
scs
__scs_entry_jumppad:
0x0: {  	(pc) =	sbr.rel $0x88, $3  }
0x1: {  	(tag) =	ssettag $0x0;
	lr =	simm.s32 $0x1  }
0x2: {  	[smem:$0x3F97] =	sst lr;
	_ =	strace $0xD0000000  }
0x3: {  	_ = 	snop  }
0x4: {  	_ = 	snop  }
0x5: {  	_ = 	snop  }
0x6: {  	_ = 	snop  }
0x7: {  	_ = 	snop  }
__scs_overlays_trampoline_lowered:
0x8: {  	[smem:$0x3FA6] =	sst s0  }
0x9: {  	[smem:$0x3FA7] =	sst s1  }
0xa: {  	[smem:$0x3FA8] =	sst s2  }
0xb: {  	[smem:$0x3FA9] =	sst s3  }
0xc: {  	[smem:$0x3FAA] =	sst s4  }
0xd: {  	[smem:$0x3FAB] =	sst s5  }
0xe: {  	[smem:$0x3FAC] =	sst s6  }
0xf: {  	[smem:$0x3FAD] =	sst s7  }
0x10: {  	[smem:$0x3FAE] =	sst s8  }
0x11: {  	[smem:$0x3FAF] =	sst s9;
	s0 =	simm.s32 @!p0 $0x0  }
0x12: {  	s1 =	sld [smem:$0x3F95];
	s0 =	simm.s32 @p0 $0x1  }
0x13: {  	[smem:$0x3FB0] =	sst s0;
	s0 =	simm.s32 @!p1 $0x0  }
0x14: {  	s2 =	sld [smem:$0x3F94];
	s0 =	simm.s32 @p1 $0x1  }
0x15: {  	[smem:$0x3FB1] =	sst s0;
	s0 =	simm.s32 @!p2 $0x0  }
0x16: {  	s3 =	sld [smem:$0x3FDB];
	s0 =	simm.s32 @p2 $0x1  }
0x17: {  	s4 =	simm.s32 $0x1BF5;
	[smem:$0x3FB3] =	sst s0  }
0x18: {  	s0 =	sld [smem:$0x3F96];
	_ =	swait.ge [sflag:s4], $0x0  }
0x19: {  	s7 =	sld [smem:$0x3F97]  }
0x1a: {  	s8 =	sadd.s32 $0xFFFFE003, lr  }
0x1b: {  	s9 =	sadd.s32 $0xFFFFFEF7, lr;
	s5 =	simm.s32 $0xFFFFFFFF;
	p2 =	slt.u32 s8, $0xFFFFF086  }
0x1c: {  	p1 =	slt.u32 s9, $0xF7A;
	s5 =	simm.s32 @!p2 $0x0  }
0x1d: {  	s5 =	simm.s32 @p1 $0x1;
	p0 =	seq.s32 s7, s2  }
0x1e: {  	s7 =	smul.u32 @!p0 $0xF7A, s2;
	p2 =	seq.s32 @!p0 s5, $0x0  }
0x1f: {  	s9 =	smul.u32 $0xF7A, s1;
	s8 =	simm.s32 @!p0 $0x1BF5;
	p2 =	por !p2, p0  }
0x20: {  	[sflag:s8] =	ssyncset.s32 @!p0 $0xFFFFF086;
	s6 =	sadd.s32 @!p0 s3, s7;
	s7 =	simm.s32 @!p0 $0x108  }
0x21: {  	s3 =	sadd.s32 s3, s9;
	s6 =	sadd.s32 @!p0 $0x88, s6;
	s7 =	simm.s32 @p2 $0x1082  }
0x22: {  	[simem:s7], [sflag:s8] =	dma.local @!p0 [hbm:s6], $0xF7A  }
0x23: {  	s9 =	sor.u32 $0xD0000000, s2;
	s6 =	simm.s32 $0x108;
	_ =	swait.ge @!p0 [sflag:s8], $0x0  }
0x24: {  	s3 =	sadd.s32 $0x88, s3;
	s6 =	simm.s32 @!p1 $0x1082;
	[sflag:s4] =	ssyncset.s32 $0xFFFFF086  }
0x25: {  	[simem:s6], [sflag:s4] =	dma.local [hbm:s3], $0xF7A  }
0x26: {  	[smem:$0x3F97] =	sst s1;
	(tag) =	ssettag s2;
	_ =	strace s9  }
0x27: {  	s1 =	sld [smem:$0x3FA7]  }
0x28: {  	s2 =	sld [smem:$0x3FA8]  }
0x29: {  	s4 =	sld [smem:$0x3FAA]  }
0x2a: {  	p0 =	seq.s32 s5, $0x0;
	s5 =	sld [smem:$0x3FAB]  }
0x2b: {  	s6 =	sld [smem:$0x3FAC]  }
0x2c: {  	s7 =	sld [smem:$0x3FAD]  }
0x2d: {  	s3 =	simm.s32 $0x108;
	s8 =	sld [smem:$0x3FAE]  }
0x2e: {  	s3 =	simm.s32 @!p0 $0x1082;
	s9 =	sld [smem:$0x3FAF]  }
0x2f: {  	lr =	sadd.s32 s0, s3;
	s0 =	sld [smem:$0x3FA6]  }
0x30: {  	s3 =	sld [smem:$0x3FA9]  }
0x31: {  	[smem:$0x3FB2] =	sst s10  }
0x32: {  	s10 =	sld [smem:$0x3FB0];
	_ =	sdelay $0x3  }
0x33: {  	p0 =	seq.s32 s10, $0x1;
	s10 =	sld [smem:$0x3FB2];
	_ =	sdelay $0x3  }
0x34: {  	[smem:$0x3FB2] =	sst s10  }
0x35: {  	s10 =	sld [smem:$0x3FB1];
	_ =	sdelay $0x3  }
0x36: {  	p1 =	seq.s32 s10, $0x1;
	s10 =	sld [smem:$0x3FB2];
	_ =	sdelay $0x3  }
0x37: {  	[smem:$0x3FB2] =	sst s10  }
0x38: {  	s10 =	sld [smem:$0x3FB3]  }
0x39: {  	_ = 	snop;
	(pc) =	sbr.ind lr, $3  }
0x3a: {  	_ = 	snop  }
0x3b: {  	_ = 	snop  }
0x3c: {  	p2 =	seq.s32 s10, $0x1;
	s10 =	sld [smem:$0x3FB2]  }
0x3d: {  	_ =	shalt  }
0x3e: {  	_ =	shalt  }
0x3f: {  	_ =	shalt  }
0x40: {  	_ =	shalt  }
0x41: {  	_ =	shalt  }
0x42: {  	_ =	shalt  }
0x43: {  	_ =	shalt  }
0x44: {  	_ =	shalt  }
0x45: {  	_ =	shalt  }
0x46: {  	_ =	shalt  }
0x47: {  	_ =	shalt  }
0x48: {  	_ =	shalt  }
0x49: {  	_ =	shalt  }
0x4a: {  	_ =	shalt  }
0x4b: {  	_ =	shalt  }
0x4c: {  	_ =	shalt  }
0x4d: {  	_ =	shalt  }
0x4e: {  	_ =	shalt  }
0x4f: {  	_ =	shalt  }
0x50: {  	_ =	shalt  }
0x51: {  	_ =	shalt  }
0x52: {  	_ =	shalt  }
0x53: {  	_ =	shalt  }
0x54: {  	_ =	shalt  }
0x55: {  	_ =	shalt  }
0x56: {  	_ =	shalt  }
0x57: {  	_ =	shalt  }
0x58: {  	_ =	shalt  }
0x59: {  	_ =	shalt  }
0x5a: {  	_ =	shalt  }
0x5b: {  	_ =	shalt  }
0x5c: {  	_ =	shalt  }
0x5d: {  	_ =	shalt  }
0x5e: {  	_ =	shalt  }
0x5f: {  	_ =	shalt  }
0x60: {  	_ =	shalt  }
0x61: {  	_ =	shalt  }
0x62: {  	_ =	shalt  }
0x63: {  	_ =	shalt  }
0x64: {  	_ =	shalt  }
0x65: {  	_ =	shalt  }
0x66: {  	_ =	shalt  }
0x67: {  	_ =	shalt  }
0x68: {  	_ =	shalt  }
0x69: {  	_ =	shalt  }
0x6a: {  	_ =	shalt  }
0x6b: {  	_ =	shalt  }
0x6c: {  	_ =	shalt  }
0x6d: {  	_ =	shalt  }
0x6e: {  	_ =	shalt  }
0x6f: {  	_ =	shalt  }
0x70: {  	_ =	shalt  }
0x71: {  	_ =	shalt  }
0x72: {  	_ =	shalt  }
0x73: {  	_ =	shalt  }
0x74: {  	_ =	shalt  }
0x75: {  	_ =	shalt  }
0x76: {  	_ =	shalt  }
0x77: {  	_ =	shalt  }
0x78: {  	_ =	shalt  }
0x79: {  	_ =	shalt  }
0x7a: {  	_ =	shalt  }
0x7b: {  	_ =	shalt  }
0x7c: {  	_ =	shalt  }
0x7d: {  	_ =	shalt  }
0x7e: {  	_ =	shalt  }
0x7f: {  	_ =	shalt  }
0x80: {  	_ =	shalt  }
0x81: {  	_ =	shalt  }
0x82: {  	_ =	shalt  }
0x83: {  	_ =	shalt  }
0x84: {  	_ =	shalt  }
0x85: {  	_ =	shalt  }
0x86: {  	_ =	shalt  }
0x87: {  	_ =	shalt  }
.Lfunc_end0:
.L_simem_size_0:
called_computation_lowered:
.L_overlay_start_0:
0x88: {  	s2 =	sld [smem:$0x3FD9]  }
0x89: {  	s3 =	sld [smem:$0x3FFE];
	_ =	sdelay $0x1  }
0x8a: {  	s1 =	srdreg.scid  }
0x8b: {  	s0 =	sand.u32 $0x1, s1  }
0x8c: {  	s17 =	sshll.u32 s0, $0xA;
	s2 =	sadd.s32 s3, s2  }
0x8d: {  	s2 =	sadd.s32 s2, s17  }
0x8e: {  	[smem:$0x3FBE] =	sst s2  }
0x8f: {  	_ = 	snop  }
0x90: {  	s2 =	sld [smem:$0x3FC9]  }
0x91: {  	s18 =	sld [smem:$0x3FC8]  }
0x92: {  	s4 =	sld [smem:$0x3FC7]  }
0x93: {  	s5 =	sld [smem:$0x3FC6];
	(tm) =	ssettm $0x1  }
0x94: {  	s6 =	sld [smem:$0x3FFB];
	_ =	sdelay $0x3  }
0x95: {  	_ =	strace s6  }
0x96: {  	s6 =	sld [smem:$0x3FFC];
	_ =	sdelay $0x3  }
0x97: {  	_ =	strace s6  }
0x98: {  	s6 =	sld [smem:$0x3FFD];
	_ =	sdelay $0x3  }
0x99: {  	_ =	strace s6  }
0x9a: {  	_ =	strace $0x8FFFFFFF  }
0x9b: {  	s19 =	sld [smem:$0x3FDB];
	_ =	sdelay $0x1  }
0x9c: {  	s7 =	simm.s32 $_scs_section_size  }
0x9d: {  	s8 =	simm.s32 $_size__tile_overlayer_lowered;
	s9 =	simm.s32 $_tile_overlayer_lowered  }
0x9e: {  	s22 =	simm.s32 $0x1BFF;
	s21 =	sshll.u32 s9, $0x1;
	s6 =	sadd.s32 s7, s19  }
0x9f: {  	s10 =	simm.s32 $0x0;
	s20 =	sshll.u32 s8, $0x1;
	s8 =	sadd.s32 s21, s6  }
0xa0: {  	[timem:s10], [sflag:s22] =	dma.local [hbm:s8], s20  }
0xa1: {  	_ =	swait.ge [sflag:s22], s20  }
0xa2: {  	s7 =	ssub.s32 $0x0, s20;
	[sflag:s22] =	ssyncset.done $0x0  }
0xa3: {  	[sflag:s22] =	ssyncadd.s32 s7;
	_ =	sdelay $0x1  }
0xa4: {  	s23 =	simm.s32 $0x1B8B  }
0xa5: {  	_ =	swait.ge [sflag:s23], $0x1  }
0xa6: {  	[sflag:s23] =	ssyncset.done $0x0  }
0xa7: {  	s25 =	simm.s32 $0x1B8E;
	s24 =	sld [smem:$0x3FFE];
	[sflag:s23] =	ssyncadd.s32 $0xFFFFFFFF  }
0xa8: {  	s26 =	simm.s32 $execute0_lowered;
	[smem:$0x3FD2] =	sst s25  }
0xa9: {  	s8 =	sshll.u32 s26, $0x1;
	_ =	strace $0x80000046;
	[dreg:$0x1] =	wrdreg $0xFFFFFFFF  }
0xaa: {  	s28 =	simm.s32 $_size_execute0_lowered;
	s6 =	sadd.s32 s6, s8;
	[dreg:$0x0] =	wrdreg $0x0  }
0xab: {  	s8 =	sshll.u32 s28, $0x1;
	[dreg:$0x2] =	wrdreg s6  }
0xac: {  	[dreg:$0x3] =	wrdreg s8  }
0xad: {  	[dreg:$0x4] =	wrdreg $0xC0  }
0xae: {  	_ =	task [dreg:s10], $0x5FFFF  }
0xaf: {  	[dreg:$0x1] =	wrdreg $0xFFFFFFFF  }
0xb0: {  	[dreg:$0x0] =	wrdreg $0x60  }
0xb1: {  	[dreg:$0x2] =	wrdreg s2  }
0xb2: {  	[dreg:$0x3] =	wrdreg s18  }
0xb3: {  	[dreg:$0x4] =	wrdreg s4  }
0xb4: {  	[dreg:$0x5] =	wrdreg s5  }
0xb5: {  	[dreg:$0x6] =	wrdreg s24  }
0xb6: {  	[dreg:$0x7] =	wrdreg $0x9  }
0xb7: {  	_ =	task.clear_ibuf [dreg:s10], $0x8FFFF;
	_ =	strace $0x90000046  }
0xb8: {  	s29 =	simm.s32 $0x9;
	_ =	strace $0x80000048  }
0xb9: {  	_ =	swait.ge [sflag:s29], $0x1  }
0xba: {  	[sflag:s29] =	ssyncadd.s32 $0xFFFFFFFF  }
0xbb: {  	_ =	strace $0x90000048  }
0xbc: {  	_ =	sfence  }
0xbd: {  	s30 =	sld [smem:$0x0];
	_ =	sdelay $0x2  }
0xbe: {  	s31 =	sshll.u32 s1, $0xD;
	s1 =	sshrl.u32 s1, $0x2  }
0xbf: {  	s3 =	sand.u32 $0x4000, s31;
	s1 =	sadd.s32 s1, s30  }
0xc0: {  	s0 =	sor.u32 s3, s0;
	s1 =	sshll.u32 s1, $0x11  }
0xc1: {  	s0 =	sor.u32 s1, s0  }
0xc2: {  	s0 =	sadd.s32 $0x8F2B, s0  }
0xc3: {  	[sflag:s0] =	ssyncadd.remote.s32 $0x1  }
0xc4: {  	_ =	sfence.sel $0xFFFF  }
0xc5: {  	[dreg:$0x0] =	wrdreg $0xFFFFFFFF;
	(pc) =	sbr.abs _section_cstart, $3  }
0xc6: {  	[dreg:$0x1] =	wrdreg $0xFFFFFFFF  }
0xc7: {  	_ =	task.clear_ibuf [dreg:s10], $0x2FFFF;
	_ =	strace $0x9FFFFFFF  }
0xc8: {  	(tm) =	ssettm $0x7FFFFFFF  }
0xc9: {  	_ =	shalt  }
tec
execute0_lowered:
.L_overlay_start_1:
0x0: {  	(tag) =	ssettag $0x1  }
0x1: {  	s10 =	rddreg [dreg:$0x0]  }
0x2: {  	s18 =	rddreg [dreg:$0x1]  }
0x3: {  	s0 =	rddreg [dreg:$0x2]  }
0x4: {  	s1 =	rddreg [dreg:$0x3]  }
0x5: {  	s2 =	rddreg [dreg:$0x4];
	s4 =	simm.s32 $0x0;
	s3 =	srdreg.scid  }
0x6: {  	s9 =	stileid.u32;
	s28 =	simm.s32 $0x19700;
	s29 =	simm.s32 $0x1A700  }
0x7: {  	s30 =	simm.s32 $0x1B700;
	s31 =	simm.s32 $0x3;
	[smem:$0x7FF] =	sst s4  }
0x8: {  	s3 =	sand.u32 $0x1, s3;
	s5 =	sshrl.u32 s9, $0x2;
	s6 =	sshll.u32 s9, $0x8  }
0x9: {  	s2 =	sadd.s32 $0x1000, s2;
	s17 =	sshll.u32 s9, $0xF;
	s14 =	sadd.s32 $0x200, s18  }
0xa: {  	_ =	strace $0x80000047;
	s7 =	sshll.u32 s3, $0x7;
	s6 =	sand.u32 $0x300, s6  }
0xb: {  	s8 =	smul.u32 $0xC3800, s5;
	s3 =	ssub.s32 $0x2, s3;
	s5 =	sshll.u32 s5, $0x11  }
0xc: {  	s24 =	sand.u32 $0x60000, s17;
	s16 =	sor.u32 s7, s6;
	s21 =	sshrl.u32 s3, $0x1  }
0xd: {  	s6 =	sadd.s32 $0x200, s10;
	s7 =	sor.u32 s8, s16;
	s3 =	ssub.s32 s3, s21  }
0xe: {  	s22 =	sor.u32 s5, s16;
	s8 =	sadd.s32 $0x400, s10;
	s10 =	sadd.s32 $0x600, s10  }
0xf: {  	s25 =	sor.u32 s17, s16;
	s12 =	sshrl.u32 s7, $0x3;
	s23 =	sshrl.u32 s22, $0x3  }
0x10: {  	s21 =	smax.u32 s3, $0x1;
	s22 =	simm.s32 $0x80;
	s5 =	sadd.s32 s0, s12  }
0x11: {  	s7 =	sadd.s32 s2, s23;
	s0 =	sor.u32 s24, s16;
	s12 =	sadd.s32 s1, s12  }
0x12: {  	s16 =	sadd.s32 $0x400, s18;
	s1 =	sshrl.u32 s25, $0x3;
	s18 =	sadd.s32 $0x600, s18  }
0x13: {  	s23 =	simm.s32 $0x400;
	s24 =	simm.s32 $0x18700;
	s25 =	simm.s32 $0x1  }
0x14: {  	s9 =	sadd.s32 $0x1000, s7;
	s11 =	sadd.s32 $0x2000, s7;
	s0 =	sshrl.u32 s0, $0x3  }
0x15: {  	s13 =	sadd.s32 $0x3000, s7;
	s26 =	sor.u32 $0x13000, s1;
	s0 =	sadd.s32 s0, s2  }
0x16: {  	s20 =	sadd.s32 s2, s26;
	s26 =	simm.s32 $0x2;
	s15 =	sadd.s32 $0x10000, s0  }
0x17: {  	s17 =	sadd.s32 $0x11000, s0;
	s19 =	sadd.s32 $0x12000, s0;
	s0 =	simm.s32 $0x0  }
.LBB2_1:
0x18: {  	[tilespmem:s4], [sflag:$0x1] =	stream.strided.gather [hbm4b:s5+s22], $0x18700, s23, s22, $0x38;
	[tilespmem:$0x1C700] =	vst v63  }
0x19: {  	s1 =	rddreg [dreg:$0x0]  }
0x1a: {  	[tilespmem:s24], [sflag:$0x2] =	stream.linear.gather [hbm4b:s1+s4], $0x1000, $0x38;
	[tilespmem:$0x1C700] =	vst v63  }
0x1b: {  	_ =	swait.ge [sflag:s25], $0x18700  }
0x1c: {  	[sflag:s25] =	ssyncset.done $0x0  }
0x1d: {  	[sflag:s25] =	ssyncadd.s32 $0xFFFE7900  }
0x1e: {  	_ =	swait.ge [sflag:s26], $0x1000  }
0x1f: {  	[sflag:s26] =	ssyncset.done $0x0  }
0x20: {  	s3 =	simm.s32 $0x0;
	[sflag:s26] =	ssyncadd.s32 $0xFFFFF000  }
0x21: {  	[tilespmem:s28], [sflag:$0x2] =	stream.linear.gather [hbm4b:s6+s4], $0x1000, $0x38;
	[tilespmem:$0x1C700] =	vst v63  }
0x22: {  	v0 =	vld [tilespmem:s3+$0x18700];
	_ =	sdelay $0x5  }
0x23: {  	v1 =	vld [tilespmem:s3+$0x18710];
	_ =	sdelay $0x1  }
0x24: {  	v0 =	vld.idx.msk [tilespmem:v0+s4+$0x0], $0xffff;
	_ =	sdelay $0x4  }
0x25: {  	v2 =	vld [tilespmem:s3+$0x18720];
	[tilespmem:s3+$0x1A700] =	vst v0  }
0x26: {  	v0 =	vld.idx.msk [tilespmem:v1+s4+$0x0], $0xffff;
	_ =	sdelay $0x4  }
0x27: {  	[tilespmem:s3+$0x1A710] =	vst v0;
	v0 =	vld [tilespmem:s3+$0x18730];
	_ =	sdelay $0x1  }
0x28: {  	v1 =	vld.idx.msk [tilespmem:v2+s4+$0x0], $0xffff;
	_ =	sdelay $0x3  }
0x29: {  	s2 =	simm.s32 $0x40;
	s1 =	simm.s32 $0x200  }
.LBB2_2:
0x2a: {  	p0 =	sne.s32 s1, $0x3F00;
	v2 =	vld [tilespmem:s2+$0x18700];
	[tilespmem:s3+$0x1A720] =	vst v1  }
0x2b: {  	v0 =	vld.idx.msk [tilespmem:v0+s4+$0x0], $0xffff;
	_ =	sdelay $0x5  }
0x2c: {  	v1 =	vld [tilespmem:s2+$0x18710];
	[tilespmem:s3+$0x1A730] =	vst v0;
	s3 =	smov.u32 s2  }
0x2d: {  	v0 =	vld.idx.msk [tilespmem:v2+s4+$0x0], $0xffff;
	_ =	sdelay $0x5  }
0x2e: {  	[tilespmem:s3+$0x1A700] =	vst v0;
	v2 =	vld [tilespmem:s3+$0x18720]  }
0x2f: {  	v0 =	vld.idx.msk [tilespmem:v1+s4+$0x0], $0xffff;
	_ =	sdelay $0x5  }
0x30: {  	[tilespmem:s3+$0x1A710] =	vst v0;
	v0 =	vld [tilespmem:s3+$0x18730]  }
0x31: {  	v1 =	vld.idx.msk [tilespmem:v2+s4+$0x0], $0xffff  }
.Ltmp0:
0x32: {  	(pc) =	sbr.rel @p0 .LBB2_2-.Ltmp0, $2  }
0x33: {  	_ =	sdelay $0x2  }
0x34: {  	s2 =	sshra.s32 s1, $0x2;
	s1 =	sadd.s32 $0x100, s1  }
0x35: {  	_ =	sdelay $0x1  }
0x36: {  	v2 =	vld [tilespmem:s2+$0x18700]  }
0x37: {  	[tilespmem:s3+$0x1A720] =	vst v1  }
0x38: {  	v0 =	vld.idx.msk [tilespmem:v0+s4+$0x0], $0xffff;
	_ =	sdelay $0x3  }
0x39: {  	v1 =	vld [tilespmem:s2+$0x18710]  }
0x3a: {  	[tilespmem:s3+$0x1A730] =	vst v0  }
0x3b: {  	v0 =	vld.idx.msk [tilespmem:v2+s4+$0x0], $0xffff;
	_ =	sdelay $0x4  }
0x3c: {  	[tilespmem:s2+$0x1A700] =	vst v0;
	v0 =	vld [tilespmem:s2+$0x18720]  }
0x3d: {  	v1 =	vld.idx.msk [tilespmem:v1+s4+$0x0], $0xffff;
	_ =	sdelay $0x4  }
0x3e: {  	[tilespmem:s2+$0x1A710] =	vst v1;
	v1 =	vld [tilespmem:s2+$0x18730];
	_ =	sdelay $0x1  }
0x3f: {  	v0 =	vld.idx.msk [tilespmem:v0+s4+$0x0], $0xffff;
	_ =	sdelay $0x4  }
0x40: {  	[tilespmem:s2+$0x1A720] =	vst v0  }
0x41: {  	v0 =	vld.idx.msk [tilespmem:v1+s4+$0x0], $0xffff;
	_ =	sdelay $0x4  }
0x42: {  	[tilespmem:s2+$0x1A730] =	vst v0  }
0x43: {  	[hbm4b:s7+s22] =	stream.strided.scatter [tilespmem:s29], [sflag:$0x3], $0x1000, s23, s22, $0x38;
	[tilespmem:$0x1C700] =	vst v63  }
0x44: {  	_ =	swait.ge [sflag:s26], $0x1000  }
0x45: {  	[sflag:s26] =	ssyncset.done $0x0  }
0x46: {  	s1 =	simm.s32 $0x0;
	s3 =	simm.s32 $0x0;
	[sflag:s26] =	ssyncadd.s32 $0xFFFFF000  }
0x47: {  	[tilespmem:s24], [sflag:$0x2] =	stream.linear.gather [hbm4b:s8+s1], $0x1000, $0x38;
	[tilespmem:$0x1C700] =	vst v63  }
0x48: {  	v0 =	vld [tilespmem:s3+$0x19700];
	_ =	sdelay $0x5  }
0x49: {  	v1 =	vld [tilespmem:s3+$0x19710];
	_ =	sdelay $0x1  }
0x4a: {  	v0 =	vld.idx.msk [tilespmem:v0+s4+$0x0], $0xffff;
	_ =	sdelay $0x4  }
0x4b: {  	v2 =	vld [tilespmem:s3+$0x19720];
	[tilespmem:s3+$0x1B700] =	vst v0  }
0x4c: {  	v0 =	vld.idx.msk [tilespmem:v1+s4+$0x0], $0xffff;
	_ =	sdelay $0x4  }
0x4d: {  	[tilespmem:s3+$0x1B710] =	vst v0;
	v0 =	vld [tilespmem:s3+$0x19730];
	_ =	sdelay $0x1  }
0x4e: {  	v1 =	vld.idx.msk [tilespmem:v2+s4+$0x0], $0xffff;
	_ =	sdelay $0x3  }
0x4f: {  	s2 =	simm.s32 $0x40;
	s1 =	simm.s32 $0x200  }
.LBB2_4:
0x50: {  	p0 =	sne.s32 s1, $0x3F00;
	v2 =	vld [tilespmem:s2+$0x19700];
	[tilespmem:s3+$0x1B720] =	vst v1  }
0x51: {  	v0 =	vld.idx.msk [tilespmem:v0+s4+$0x0], $0xffff;
	_ =	sdelay $0x5  }
0x52: {  	v1 =	vld [tilespmem:s2+$0x19710];
	[tilespmem:s3+$0x1B730] =	vst v0;
	s3 =	smov.u32 s2  }
0x53: {  	v0 =	vld.idx.msk [tilespmem:v2+s4+$0x0], $0xffff;
	_ =	sdelay $0x5  }
0x54: {  	[tilespmem:s3+$0x1B700] =	vst v0;
	v2 =	vld [tilespmem:s3+$0x19720]  }
0x55: {  	v0 =	vld.idx.msk [tilespmem:v1+s4+$0x0], $0xffff;
	_ =	sdelay $0x5  }
0x56: {  	[tilespmem:s3+$0x1B710] =	vst v0;
	v0 =	vld [tilespmem:s3+$0x19730]  }
0x57: {  	v1 =	vld.idx.msk [tilespmem:v2+s4+$0x0], $0xffff  }
.Ltmp1:
0x58: {  	(pc) =	sbr.rel @p0 .LBB2_4-.Ltmp1, $2  }
0x59: {  	_ =	sdelay $0x2  }
0x5a: {  	s2 =	sshra.s32 s1, $0x2;
	s1 =	sadd.s32 $0x100, s1  }
0x5b: {  	_ =	sdelay $0x1  }
0x5c: {  	v2 =	vld [tilespmem:s2+$0x19700]  }
0x5d: {  	[tilespmem:s3+$0x1B720] =	vst v1  }
0x5e: {  	v0 =	vld.idx.msk [tilespmem:v0+s4+$0x0], $0xffff;
	_ =	sdelay $0x3  }
0x5f: {  	v1 =	vld [tilespmem:s2+$0x19710]  }
0x60: {  	[tilespmem:s3+$0x1B730] =	vst v0  }
0x61: {  	v0 =	vld.idx.msk [tilespmem:v2+s4+$0x0], $0xffff;
	_ =	sdelay $0x4  }
0x62: {  	[tilespmem:s2+$0x1B700] =	vst v0;
	v0 =	vld [tilespmem:s2+$0x19720]  }
0x63: {  	v1 =	vld.idx.msk [tilespmem:v1+s4+$0x0], $0xffff;
	_ =	sdelay $0x4  }
0x64: {  	[tilespmem:s2+$0x1B710] =	vst v1;
	v1 =	vld [tilespmem:s2+$0x19730];
	_ =	sdelay $0x1  }
0x65: {  	v0 =	vld.idx.msk [tilespmem:v0+s4+$0x0], $0xffff;
	_ =	sdelay $0x4  }
0x66: {  	[tilespmem:s2+$0x1B720] =	vst v0  }
0x67: {  	v0 =	vld.idx.msk [tilespmem:v1+s4+$0x0], $0xffff;
	_ =	sdelay $0x4  }
0x68: {  	[tilespmem:s2+$0x1B730] =	vst v0  }
0x69: {  	[hbm4b:s9+s22] =	stream.strided.scatter [tilespmem:s30], [sflag:$0x3], $0x1000, s23, s22, $0x38;
	[tilespmem:$0x1C700] =	vst v63  }
0x6a: {  	_ =	swait.ge [sflag:s26], $0x1000  }
0x6b: {  	[sflag:s26] =	ssyncset.done $0x0  }
0x6c: {  	s1 =	simm.s32 $0x0;
	[sflag:s26] =	ssyncadd.s32 $0xFFFFF000  }
0x6d: {  	[tilespmem:s28], [sflag:$0x2] =	stream.linear.gather [hbm4b:s10+s1], $0x1000, $0x38;
	[tilespmem:$0x1C700] =	vst v63  }
0x6e: {  	_ =	swait.ge [sflag:s31], $0x1000  }
0x6f: {  	[sflag:s31] =	ssyncset.done $0x0  }
0x70: {  	s3 =	simm.s32 $0x0;
	[sflag:s31] =	ssyncadd.s32 $0xFFFFF000  }
0x71: {  	v0 =	vld [tilespmem:s3+$0x18700];
	_ =	sdelay $0x5  }
0x72: {  	v1 =	vld [tilespmem:s3+$0x18710];
	_ =	sdelay $0x1  }
0x73: {  	v0 =	vld.idx.msk [tilespmem:v0+s4+$0x0], $0xffff;
	_ =	sdelay $0x4  }
0x74: {  	v2 =	vld [tilespmem:s3+$0x18720];
	[tilespmem:s3+$0x1A700] =	vst v0  }
0x75: {  	v0 =	vld.idx.msk [tilespmem:v1+s4+$0x0], $0xffff;
	_ =	sdelay $0x4  }
0x76: {  	[tilespmem:s3+$0x1A710] =	vst v0;
	v0 =	vld [tilespmem:s3+$0x18730];
	_ =	sdelay $0x1  }
0x77: {  	v1 =	vld.idx.msk [tilespmem:v2+s4+$0x0], $0xffff;
	_ =	sdelay $0x3  }
0x78: {  	s2 =	simm.s32 $0x40;
	s1 =	simm.s32 $0x200  }
.LBB2_6:
0x79: {  	p0 =	sne.s32 s1, $0x3F00;
	v2 =	vld [tilespmem:s2+$0x18700];
	[tilespmem:s3+$0x1A720] =	vst v1  }
0x7a: {  	v0 =	vld.idx.msk [tilespmem:v0+s4+$0x0], $0xffff;
	_ =	sdelay $0x5  }
0x7b: {  	v1 =	vld [tilespmem:s2+$0x18710];
	[tilespmem:s3+$0x1A730] =	vst v0;
	s3 =	smov.u32 s2  }
0x7c: {  	v0 =	vld.idx.msk [tilespmem:v2+s4+$0x0], $0xffff;
	_ =	sdelay $0x5  }
0x7d: {  	[tilespmem:s3+$0x1A700] =	vst v0;
	v2 =	vld [tilespmem:s3+$0x18720]  }
0x7e: {  	v0 =	vld.idx.msk [tilespmem:v1+s4+$0x0], $0xffff;
	_ =	sdelay $0x5  }
0x7f: {  	[tilespmem:s3+$0x1A710] =	vst v0;
	v0 =	vld [tilespmem:s3+$0x18730]  }
0x80: {  	v1 =	vld.idx.msk [tilespmem:v2+s4+$0x0], $0xffff  }
.Ltmp2:
0x81: {  	(pc) =	sbr.rel @p0 .LBB2_6-.Ltmp2, $2  }
0x82: {  	_ =	sdelay $0x2  }
0x83: {  	s2 =	sshra.s32 s1, $0x2;
	s1 =	sadd.s32 $0x100, s1  }
0x84: {  	_ =	sdelay $0x1  }
0x85: {  	v2 =	vld [tilespmem:s2+$0x18700]  }
0x86: {  	[tilespmem:s3+$0x1A720] =	vst v1  }
0x87: {  	v0 =	vld.idx.msk [tilespmem:v0+s4+$0x0], $0xffff;
	_ =	sdelay $0x3  }
0x88: {  	v1 =	vld [tilespmem:s2+$0x18710]  }
0x89: {  	[tilespmem:s3+$0x1A730] =	vst v0  }
0x8a: {  	v0 =	vld.idx.msk [tilespmem:v2+s4+$0x0], $0xffff;
	_ =	sdelay $0x4  }
0x8b: {  	[tilespmem:s2+$0x1A700] =	vst v0;
	v0 =	vld [tilespmem:s2+$0x18720]  }
0x8c: {  	v1 =	vld.idx.msk [tilespmem:v1+s4+$0x0], $0xffff;
	_ =	sdelay $0x4  }
0x8d: {  	[tilespmem:s2+$0x1A710] =	vst v1;
	v1 =	vld [tilespmem:s2+$0x18730];
	_ =	sdelay $0x1  }
0x8e: {  	v0 =	vld.idx.msk [tilespmem:v0+s4+$0x0], $0xffff;
	_ =	sdelay $0x4  }
0x8f: {  	[tilespmem:s2+$0x1A720] =	vst v0  }
0x90: {  	v0 =	vld.idx.msk [tilespmem:v1+s4+$0x0], $0xffff;
	_ =	sdelay $0x4  }
0x91: {  	[tilespmem:s2+$0x1A730] =	vst v0  }
0x92: {  	[hbm4b:s11+s22] =	stream.strided.scatter [tilespmem:s29], [sflag:$0x3], $0x1000, s23, s22, $0x38;
	[tilespmem:$0x1C700] =	vst v63  }
0x93: {  	_ =	swait.ge [sflag:s26], $0x1000  }
0x94: {  	[sflag:s26] =	ssyncset.done $0x0  }
0x95: {  	[sflag:s26] =	ssyncadd.s32 $0xFFFFF000  }
0x96: {  	s1 =	simm.s32 $0x0;
	s3 =	rddreg [dreg:$0x1]  }
0x97: {  	[tilespmem:s24], [sflag:$0x2] =	stream.linear.gather [hbm4b:s3+s1], $0x1000, $0x38;
	[tilespmem:$0x1C700] =	vst v63  }
0x98: {  	_ =	swait.ge [sflag:s31], $0x1000  }
0x99: {  	[sflag:s31] =	ssyncset.done $0x0  }
0x9a: {  	s3 =	simm.s32 $0x0;
	[sflag:s31] =	ssyncadd.s32 $0xFFFFF000  }
0x9b: {  	v0 =	vld [tilespmem:s3+$0x19700];
	_ =	sdelay $0x5  }
0x9c: {  	v1 =	vld [tilespmem:s3+$0x19710];
	_ =	sdelay $0x1  }
0x9d: {  	v0 =	vld.idx.msk [tilespmem:v0+s4+$0x0], $0xffff;
	_ =	sdelay $0x4  }
0x9e: {  	v2 =	vld [tilespmem:s3+$0x19720];
	[tilespmem:s3+$0x1B700] =	vst v0  }
0x9f: {  	v0 =	vld.idx.msk [tilespmem:v1+s4+$0x0], $0xffff;
	_ =	sdelay $0x4  }
0xa0: {  	[tilespmem:s3+$0x1B710] =	vst v0;
	v0 =	vld [tilespmem:s3+$0x19730];
	_ =	sdelay $0x1  }
0xa1: {  	v1 =	vld.idx.msk [tilespmem:v2+s4+$0x0], $0xffff;
	_ =	sdelay $0x3  }
0xa2: {  	s2 =	simm.s32 $0x40;
	s1 =	simm.s32 $0x200  }
.LBB2_8:
0xa3: {  	p0 =	sne.s32 s1, $0x3F00;
	v2 =	vld [tilespmem:s2+$0x19700];
	[tilespmem:s3+$0x1B720] =	vst v1  }
0xa4: {  	v0 =	vld.idx.msk [tilespmem:v0+s4+$0x0], $0xffff;
	_ =	sdelay $0x5  }
0xa5: {  	v1 =	vld [tilespmem:s2+$0x19710];
	[tilespmem:s3+$0x1B730] =	vst v0;
	s3 =	smov.u32 s2  }
0xa6: {  	v0 =	vld.idx.msk [tilespmem:v2+s4+$0x0], $0xffff;
	_ =	sdelay $0x5  }
0xa7: {  	[tilespmem:s3+$0x1B700] =	vst v0;
	v2 =	vld [tilespmem:s3+$0x19720]  }
0xa8: {  	v0 =	vld.idx.msk [tilespmem:v1+s4+$0x0], $0xffff;
	_ =	sdelay $0x5  }
0xa9: {  	[tilespmem:s3+$0x1B710] =	vst v0;
	v0 =	vld [tilespmem:s3+$0x19730]  }
0xaa: {  	v1 =	vld.idx.msk [tilespmem:v2+s4+$0x0], $0xffff  }
.Ltmp3:
0xab: {  	(pc) =	sbr.rel @p0 .LBB2_8-.Ltmp3, $2  }
0xac: {  	_ =	sdelay $0x2  }
0xad: {  	s2 =	sshra.s32 s1, $0x2;
	s1 =	sadd.s32 $0x100, s1  }
0xae: {  	_ =	sdelay $0x1  }
0xaf: {  	v2 =	vld [tilespmem:s2+$0x19700]  }
0xb0: {  	[tilespmem:s3+$0x1B720] =	vst v1  }
0xb1: {  	v0 =	vld.idx.msk [tilespmem:v0+s4+$0x0], $0xffff;
	_ =	sdelay $0x3  }
0xb2: {  	v1 =	vld [tilespmem:s2+$0x19710]  }
0xb3: {  	[tilespmem:s3+$0x1B730] =	vst v0  }
0xb4: {  	v0 =	vld.idx.msk [tilespmem:v2+s4+$0x0], $0xffff;
	_ =	sdelay $0x4  }
0xb5: {  	[tilespmem:s2+$0x1B700] =	vst v0;
	v0 =	vld [tilespmem:s2+$0x19720]  }
0xb6: {  	v1 =	vld.idx.msk [tilespmem:v1+s4+$0x0], $0xffff;
	_ =	sdelay $0x4  }
0xb7: {  	[tilespmem:s2+$0x1B710] =	vst v1;
	v1 =	vld [tilespmem:s2+$0x19730];
	_ =	sdelay $0x1  }
0xb8: {  	v0 =	vld.idx.msk [tilespmem:v0+s4+$0x0], $0xffff;
	_ =	sdelay $0x4  }
0xb9: {  	[tilespmem:s2+$0x1B720] =	vst v0  }
0xba: {  	v0 =	vld.idx.msk [tilespmem:v1+s4+$0x0], $0xffff;
	_ =	sdelay $0x4  }
0xbb: {  	s1 =	simm.s32 $0x0;
	[tilespmem:s2+$0x1B730] =	vst v0  }
0xbc: {  	[tilespmem:s1], [sflag:$0x1] =	stream.strided.gather [hbm4b:s12+s22], $0x18700, s23, s22, $0x38;
	[tilespmem:$0x1C700] =	vst v63  }
0xbd: {  	_ = 	snop  }
0xbe: {  	[hbm4b:s13+s22] =	stream.strided.scatter [tilespmem:s30], [sflag:$0x3], $0x1000, s23, s22, $0x38;
	[tilespmem:$0x1C700] =	vst v63  }
0xbf: {  	_ =	swait.ge [sflag:s25], $0x18700  }
0xc0: {  	[sflag:s25] =	ssyncset.done $0x0  }
0xc1: {  	[sflag:s25] =	ssyncadd.s32 $0xFFFE7900  }
0xc2: {  	_ =	swait.ge [sflag:s26], $0x1000  }
0xc3: {  	[sflag:s26] =	ssyncset.done $0x0  }
0xc4: {  	[sflag:s26] =	ssyncadd.s32 $0xFFFFF000  }
0xc5: {  	[tilespmem:s28], [sflag:$0x2] =	stream.linear.gather [hbm4b:s14+s1], $0x1000, $0x38;
	[tilespmem:$0x1C700] =	vst v63  }
0xc6: {  	_ =	swait.ge [sflag:s31], $0x1000  }
0xc7: {  	[sflag:s31] =	ssyncset.done $0x0  }
0xc8: {  	s3 =	simm.s32 $0x0;
	[sflag:s31] =	ssyncadd.s32 $0xFFFFF000  }
0xc9: {  	v0 =	vld [tilespmem:s3+$0x18700];
	_ =	sdelay $0x5  }
0xca: {  	v1 =	vld [tilespmem:s3+$0x18710];
	_ =	sdelay $0x1  }
0xcb: {  	v0 =	vld.idx.msk [tilespmem:v0+s4+$0x0], $0xffff;
	_ =	sdelay $0x4  }
0xcc: {  	v2 =	vld [tilespmem:s3+$0x18720];
	[tilespmem:s3+$0x1A700] =	vst v0  }
0xcd: {  	v0 =	vld.idx.msk [tilespmem:v1+s4+$0x0], $0xffff;
	_ =	sdelay $0x4  }
0xce: {  	[tilespmem:s3+$0x1A710] =	vst v0;
	v0 =	vld [tilespmem:s3+$0x18730];
	_ =	sdelay $0x1  }
0xcf: {  	v1 =	vld.idx.msk [tilespmem:v2+s4+$0x0], $0xffff;
	_ =	sdelay $0x3  }
0xd0: {  	s2 =	simm.s32 $0x40;
	s1 =	simm.s32 $0x200  }
.LBB2_10:
0xd1: {  	p0 =	sne.s32 s1, $0x3F00;
	v2 =	vld [tilespmem:s2+$0x18700];
	[tilespmem:s3+$0x1A720] =	vst v1  }
0xd2: {  	v0 =	vld.idx.msk [tilespmem:v0+s4+$0x0], $0xffff;
	_ =	sdelay $0x5  }
0xd3: {  	v1 =	vld [tilespmem:s2+$0x18710];
	[tilespmem:s3+$0x1A730] =	vst v0;
	s3 =	smov.u32 s2  }
0xd4: {  	v0 =	vld.idx.msk [tilespmem:v2+s4+$0x0], $0xffff;
	_ =	sdelay $0x5  }
0xd5: {  	[tilespmem:s3+$0x1A700] =	vst v0;
	v2 =	vld [tilespmem:s3+$0x18720]  }
0xd6: {  	v0 =	vld.idx.msk [tilespmem:v1+s4+$0x0], $0xffff;
	_ =	sdelay $0x5  }
0xd7: {  	[tilespmem:s3+$0x1A710] =	vst v0;
	v0 =	vld [tilespmem:s3+$0x18730]  }
0xd8: {  	v1 =	vld.idx.msk [tilespmem:v2+s4+$0x0], $0xffff  }
.Ltmp4:
0xd9: {  	(pc) =	sbr.rel @p0 .LBB2_10-.Ltmp4, $2  }
0xda: {  	_ =	sdelay $0x2  }
0xdb: {  	s2 =	sshra.s32 s1, $0x2;
	s1 =	sadd.s32 $0x100, s1  }
0xdc: {  	_ =	sdelay $0x1  }
0xdd: {  	v2 =	vld [tilespmem:s2+$0x18700]  }
0xde: {  	[tilespmem:s3+$0x1A720] =	vst v1  }
0xdf: {  	v0 =	vld.idx.msk [tilespmem:v0+s4+$0x0], $0xffff;
	_ =	sdelay $0x3  }
0xe0: {  	v1 =	vld [tilespmem:s2+$0x18710]  }
0xe1: {  	[tilespmem:s3+$0x1A730] =	vst v0  }
0xe2: {  	v0 =	vld.idx.msk [tilespmem:v2+s4+$0x0], $0xffff;
	_ =	sdelay $0x4  }
0xe3: {  	[tilespmem:s2+$0x1A700] =	vst v0;
	v0 =	vld [tilespmem:s2+$0x18720]  }
0xe4: {  	v1 =	vld.idx.msk [tilespmem:v1+s4+$0x0], $0xffff;
	_ =	sdelay $0x4  }
0xe5: {  	[tilespmem:s2+$0x1A710] =	vst v1;
	v1 =	vld [tilespmem:s2+$0x18730];
	_ =	sdelay $0x1  }
0xe6: {  	v0 =	vld.idx.msk [tilespmem:v0+s4+$0x0], $0xffff;
	_ =	sdelay $0x4  }
0xe7: {  	[tilespmem:s2+$0x1A720] =	vst v0  }
0xe8: {  	v0 =	vld.idx.msk [tilespmem:v1+s4+$0x0], $0xffff;
	_ =	sdelay $0x4  }
0xe9: {  	[tilespmem:s2+$0x1A730] =	vst v0  }
0xea: {  	[hbm4b:s15+s22] =	stream.strided.scatter [tilespmem:s29], [sflag:$0x3], $0x1000, s23, s22, $0x38;
	[tilespmem:$0x1C700] =	vst v63  }
0xeb: {  	_ =	swait.ge [sflag:s26], $0x1000  }
0xec: {  	[sflag:s26] =	ssyncset.done $0x0  }
0xed: {  	s1 =	simm.s32 $0x0;
	[sflag:s26] =	ssyncadd.s32 $0xFFFFF000  }
0xee: {  	[tilespmem:s24], [sflag:$0x2] =	stream.linear.gather [hbm4b:s16+s1], $0x1000, $0x38;
	[tilespmem:$0x1C700] =	vst v63  }
0xef: {  	_ =	swait.ge [sflag:s31], $0x1000  }
0xf0: {  	[sflag:s31] =	ssyncset.done $0x0  }
0xf1: {  	s3 =	simm.s32 $0x0;
	[sflag:s31] =	ssyncadd.s32 $0xFFFFF000  }
0xf2: {  	v0 =	vld [tilespmem:s3+$0x19700];
	_ =	sdelay $0x5  }
0xf3: {  	v1 =	vld [tilespmem:s3+$0x19710];
	_ =	sdelay $0x1  }
0xf4: {  	v0 =	vld.idx.msk [tilespmem:v0+s4+$0x0], $0xffff;
	_ =	sdelay $0x4  }
0xf5: {  	v2 =	vld [tilespmem:s3+$0x19720];
	[tilespmem:s3+$0x1B700] =	vst v0  }
0xf6: {  	v0 =	vld.idx.msk [tilespmem:v1+s4+$0x0], $0xffff;
	_ =	sdelay $0x4  }
0xf7: {  	[tilespmem:s3+$0x1B710] =	vst v0;
	v0 =	vld [tilespmem:s3+$0x19730];
	_ =	sdelay $0x1  }
0xf8: {  	v1 =	vld.idx.msk [tilespmem:v2+s4+$0x0], $0xffff;
	_ =	sdelay $0x3  }
0xf9: {  	s2 =	simm.s32 $0x40;
	s1 =	simm.s32 $0x200  }
.LBB2_12:
0xfa: {  	p0 =	sne.s32 s1, $0x3F00;
	v2 =	vld [tilespmem:s2+$0x19700];
	[tilespmem:s3+$0x1B720] =	vst v1  }
0xfb: {  	v0 =	vld.idx.msk [tilespmem:v0+s4+$0x0], $0xffff;
	_ =	sdelay $0x5  }
0xfc: {  	v1 =	vld [tilespmem:s2+$0x19710];
	[tilespmem:s3+$0x1B730] =	vst v0;
	s3 =	smov.u32 s2  }
0xfd: {  	v0 =	vld.idx.msk [tilespmem:v2+s4+$0x0], $0xffff;
	_ =	sdelay $0x5  }
0xfe: {  	[tilespmem:s3+$0x1B700] =	vst v0;
	v2 =	vld [tilespmem:s3+$0x19720]  }
0xff: {  	v0 =	vld.idx.msk [tilespmem:v1+s4+$0x0], $0xffff;
	_ =	sdelay $0x5  }
0x100: {  	[tilespmem:s3+$0x1B710] =	vst v0;
	v0 =	vld [tilespmem:s3+$0x19730]  }
0x101: {  	v1 =	vld.idx.msk [tilespmem:v2+s4+$0x0], $0xffff  }
.Ltmp5:
0x102: {  	(pc) =	sbr.rel @p0 .LBB2_12-.Ltmp5, $2  }
0x103: {  	_ =	sdelay $0x2  }
0x104: {  	s2 =	sshra.s32 s1, $0x2;
	s1 =	sadd.s32 $0x100, s1  }
0x105: {  	_ =	sdelay $0x1  }
0x106: {  	v2 =	vld [tilespmem:s2+$0x19700]  }
0x107: {  	[tilespmem:s3+$0x1B720] =	vst v1  }
0x108: {  	v0 =	vld.idx.msk [tilespmem:v0+s4+$0x0], $0xffff;
	_ =	sdelay $0x3  }
0x109: {  	v1 =	vld [tilespmem:s2+$0x19710]  }
0x10a: {  	[tilespmem:s3+$0x1B730] =	vst v0  }
0x10b: {  	v0 =	vld.idx.msk [tilespmem:v2+s4+$0x0], $0xffff;
	_ =	sdelay $0x4  }
0x10c: {  	[tilespmem:s2+$0x1B700] =	vst v0;
	v0 =	vld [tilespmem:s2+$0x19720]  }
0x10d: {  	v1 =	vld.idx.msk [tilespmem:v1+s4+$0x0], $0xffff;
	_ =	sdelay $0x4  }
0x10e: {  	[tilespmem:s2+$0x1B710] =	vst v1;
	v1 =	vld [tilespmem:s2+$0x19730];
	_ =	sdelay $0x1  }
0x10f: {  	v0 =	vld.idx.msk [tilespmem:v0+s4+$0x0], $0xffff;
	_ =	sdelay $0x4  }
0x110: {  	[tilespmem:s2+$0x1B720] =	vst v0  }
0x111: {  	v0 =	vld.idx.msk [tilespmem:v1+s4+$0x0], $0xffff;
	_ =	sdelay $0x4  }
0x112: {  	[tilespmem:s2+$0x1B730] =	vst v0  }
0x113: {  	[hbm4b:s17+s22] =	stream.strided.scatter [tilespmem:s30], [sflag:$0x3], $0x1000, s23, s22, $0x38;
	[tilespmem:$0x1C700] =	vst v63  }
0x114: {  	_ =	swait.ge [sflag:s26], $0x1000  }
0x115: {  	[sflag:s26] =	ssyncset.done $0x0  }
0x116: {  	s1 =	simm.s32 $0x0;
	[sflag:s26] =	ssyncadd.s32 $0xFFFFF000  }
0x117: {  	[tilespmem:s28], [sflag:$0x2] =	stream.linear.gather [hbm4b:s18+s1], $0x1000, $0x38;
	[tilespmem:$0x1C700] =	vst v63  }
0x118: {  	_ =	swait.ge [sflag:s31], $0x1000  }
0x119: {  	[sflag:s31] =	ssyncset.done $0x0  }
0x11a: {  	s3 =	simm.s32 $0x0;
	[sflag:s31] =	ssyncadd.s32 $0xFFFFF000  }
0x11b: {  	v0 =	vld [tilespmem:s3+$0x18700];
	_ =	sdelay $0x5  }
0x11c: {  	v1 =	vld [tilespmem:s3+$0x18710];
	_ =	sdelay $0x1  }
0x11d: {  	v0 =	vld.idx.msk [tilespmem:v0+s4+$0x0], $0xffff;
	_ =	sdelay $0x4  }
0x11e: {  	v2 =	vld [tilespmem:s3+$0x18720];
	[tilespmem:s3+$0x1A700] =	vst v0  }
0x11f: {  	v0 =	vld.idx.msk [tilespmem:v1+s4+$0x0], $0xffff;
	_ =	sdelay $0x4  }
0x120: {  	[tilespmem:s3+$0x1A710] =	vst v0;
	v0 =	vld [tilespmem:s3+$0x18730];
	_ =	sdelay $0x1  }
0x121: {  	v1 =	vld.idx.msk [tilespmem:v2+s4+$0x0], $0xffff;
	_ =	sdelay $0x3  }
0x122: {  	s2 =	simm.s32 $0x40;
	s1 =	simm.s32 $0x200  }
.LBB2_14:
0x123: {  	p0 =	sne.s32 s1, $0x3F00;
	v2 =	vld [tilespmem:s2+$0x18700];
	[tilespmem:s3+$0x1A720] =	vst v1  }
0x124: {  	v0 =	vld.idx.msk [tilespmem:v0+s4+$0x0], $0xffff;
	_ =	sdelay $0x5  }
0x125: {  	v1 =	vld [tilespmem:s2+$0x18710];
	[tilespmem:s3+$0x1A730] =	vst v0;
	s3 =	smov.u32 s2  }
0x126: {  	v0 =	vld.idx.msk [tilespmem:v2+s4+$0x0], $0xffff;
	_ =	sdelay $0x5  }
0x127: {  	[tilespmem:s3+$0x1A700] =	vst v0;
	v2 =	vld [tilespmem:s3+$0x18720]  }
0x128: {  	v0 =	vld.idx.msk [tilespmem:v1+s4+$0x0], $0xffff;
	_ =	sdelay $0x5  }
0x129: {  	[tilespmem:s3+$0x1A710] =	vst v0;
	v0 =	vld [tilespmem:s3+$0x18730]  }
0x12a: {  	v1 =	vld.idx.msk [tilespmem:v2+s4+$0x0], $0xffff  }
.Ltmp6:
0x12b: {  	(pc) =	sbr.rel @p0 .LBB2_14-.Ltmp6, $2  }
0x12c: {  	_ =	sdelay $0x2  }
0x12d: {  	s2 =	sshra.s32 s1, $0x2;
	s1 =	sadd.s32 $0x100, s1  }
0x12e: {  	_ =	sdelay $0x1  }
0x12f: {  	v2 =	vld [tilespmem:s2+$0x18700]  }
0x130: {  	[tilespmem:s3+$0x1A720] =	vst v1  }
0x131: {  	v0 =	vld.idx.msk [tilespmem:v0+s4+$0x0], $0xffff;
	_ =	sdelay $0x3  }
0x132: {  	v1 =	vld [tilespmem:s2+$0x18710]  }
0x133: {  	[tilespmem:s3+$0x1A730] =	vst v0  }
0x134: {  	v0 =	vld.idx.msk [tilespmem:v2+s4+$0x0], $0xffff;
	_ =	sdelay $0x4  }
0x135: {  	[tilespmem:s2+$0x1A700] =	vst v0;
	v0 =	vld [tilespmem:s2+$0x18720]  }
0x136: {  	v1 =	vld.idx.msk [tilespmem:v1+s4+$0x0], $0xffff;
	_ =	sdelay $0x4  }
0x137: {  	[tilespmem:s2+$0x1A710] =	vst v1;
	v1 =	vld [tilespmem:s2+$0x18730];
	_ =	sdelay $0x1  }
0x138: {  	v0 =	vld.idx.msk [tilespmem:v0+s4+$0x0], $0xffff;
	_ =	sdelay $0x4  }
0x139: {  	[tilespmem:s2+$0x1A720] =	vst v0  }
0x13a: {  	v0 =	vld.idx.msk [tilespmem:v1+s4+$0x0], $0xffff;
	_ =	sdelay $0x4  }
0x13b: {  	[tilespmem:s2+$0x1A730] =	vst v0  }
0x13c: {  	[hbm4b:s19+s22] =	stream.strided.scatter [tilespmem:s29], [sflag:$0x3], $0x1000, s23, s22, $0x38;
	[tilespmem:$0x1C700] =	vst v63  }
0x13d: {  	_ =	swait.ge [sflag:s26], $0x1000  }
0x13e: {  	[sflag:s26] =	ssyncset.done $0x0  }
0x13f: {  	[sflag:s26] =	ssyncadd.s32 $0xFFFFF000  }
0x140: {  	_ =	swait.ge [sflag:s31], $0x1000  }
0x141: {  	[sflag:s31] =	ssyncset.done $0x0  }
0x142: {  	s3 =	simm.s32 $0x0;
	[sflag:s31] =	ssyncadd.s32 $0xFFFFF000  }
0x143: {  	v0 =	vld [tilespmem:s3+$0x19700];
	_ =	sdelay $0x5  }
0x144: {  	v1 =	vld [tilespmem:s3+$0x19710];
	_ =	sdelay $0x1  }
0x145: {  	v0 =	vld.idx.msk [tilespmem:v0+s4+$0x0], $0xffff;
	_ =	sdelay $0x4  }
0x146: {  	v2 =	vld [tilespmem:s3+$0x19720];
	[tilespmem:s3+$0x1B700] =	vst v0  }
0x147: {  	v0 =	vld.idx.msk [tilespmem:v1+s4+$0x0], $0xffff;
	_ =	sdelay $0x4  }
0x148: {  	[tilespmem:s3+$0x1B710] =	vst v0;
	v0 =	vld [tilespmem:s3+$0x19730];
	_ =	sdelay $0x1  }
0x149: {  	v1 =	vld.idx.msk [tilespmem:v2+s4+$0x0], $0xffff;
	_ =	sdelay $0x3  }
0x14a: {  	s1 =	simm.s32 $0x200;
	s2 =	simm.s32 $0x40  }
.LBB2_16:
0x14b: {  	p0 =	sne.s32 s1, $0x3F00;
	v2 =	vld [tilespmem:s2+$0x19700];
	[tilespmem:s3+$0x1B720] =	vst v1  }
0x14c: {  	v0 =	vld.idx.msk [tilespmem:v0+s4+$0x0], $0xffff;
	_ =	sdelay $0x5  }
0x14d: {  	v1 =	vld [tilespmem:s2+$0x19710];
	[tilespmem:s3+$0x1B730] =	vst v0;
	s3 =	smov.u32 s2  }
0x14e: {  	v0 =	vld.idx.msk [tilespmem:v2+s4+$0x0], $0xffff;
	_ =	sdelay $0x5  }
0x14f: {  	[tilespmem:s3+$0x1B700] =	vst v0;
	v2 =	vld [tilespmem:s3+$0x19720]  }
0x150: {  	v0 =	vld.idx.msk [tilespmem:v1+s4+$0x0], $0xffff;
	_ =	sdelay $0x5  }
0x151: {  	[tilespmem:s3+$0x1B710] =	vst v0;
	v0 =	vld [tilespmem:s3+$0x19730]  }
0x152: {  	v1 =	vld.idx.msk [tilespmem:v2+s4+$0x0], $0xffff  }
.Ltmp7:
0x153: {  	(pc) =	sbr.rel @p0 .LBB2_16-.Ltmp7, $2  }
0x154: {  	_ =	sdelay $0x2  }
0x155: {  	s2 =	sshra.s32 s1, $0x2;
	s1 =	sadd.s32 $0x100, s1  }
0x156: {  	_ =	sdelay $0x1  }
0x157: {  	v2 =	vld [tilespmem:s2+$0x19700]  }
0x158: {  	[tilespmem:s3+$0x1B720] =	vst v1  }
0x159: {  	v0 =	vld.idx.msk [tilespmem:v0+s4+$0x0], $0xffff;
	_ =	sdelay $0x3  }
0x15a: {  	v1 =	vld [tilespmem:s2+$0x19710]  }
0x15b: {  	[tilespmem:s3+$0x1B730] =	vst v0  }
0x15c: {  	v0 =	vld.idx.msk [tilespmem:v2+s4+$0x0], $0xffff;
	_ =	sdelay $0x3  }
0x15d: {  	v62 =	vld [tilespmem:s2+$0x19720]  }
0x15e: {  	[tilespmem:s2+$0x1B700] =	vst v0  }
0x15f: {  	v1 =	vld.idx.msk [tilespmem:v1+s4+$0x0], $0xffff;
	_ =	sdelay $0x3  }
0x160: {  	v63 =	vld [tilespmem:s2+$0x19730]  }
0x161: {  	[tilespmem:s2+$0x1B710] =	vst v1  }
0x162: {  	v0 =	vld.idx.msk [tilespmem:v62+s4+$0x0], $0xffff;
	_ =	sdelay $0x4  }
0x163: {  	[tilespmem:s2+$0x1B720] =	vst v0  }
0x164: {  	v0 =	vld.idx.msk [tilespmem:v63+s4+$0x0], $0xffff;
	_ =	sdelay $0x4  }
0x165: {  	s0 =	sadd.s32 $0x1, s0;
	[tilespmem:s2+$0x1B730] =	vst v0  }
0x166: {  	[hbm4b:s20+s22] =	stream.strided.scatter [tilespmem:s30], [sflag:$0x3], $0x1000, s23, s22, $0x38;
	[tilespmem:$0x1C700] =	vst v63  }
0x167: {  	p0 =	sne.s32 s0, s21;
	_ =	swait.ge [sflag:s31], $0x1000  }
.Ltmp8:
0x168: {  	[sflag:s31] =	ssyncset.done $0x0;
	(pc) =	sbr.rel @p0 .LBB2_1-.Ltmp8, $4  }
0x169: {  	[sflag:s31] =	ssyncadd.s32 $0xFFFFF000  }
0x16a: {  	_ =	swait.ge [sflag:s31], $0x1000  }
0x16b: {  	[sflag:s31] =	ssyncset.done $0x0  }
0x16c: {  	[sflag:s31] =	ssyncadd.s32 $0xFFFFF000  }
0x16d: {  	_ =	sfence.sel $0x180000  }
0x16e: {  	[bflag:$0x0] =	sbarrier.arrive $0xFFFF  }
0x16f: {  	_ =	strace $0x90000047  }
0x170: {  	s0 =	stileid.u32;
	[bflag:$0x2] =	sbarrier.arrive $0xFFFF  }
0x171: {  	p0 =	sne.s32 s0, $0x0;
	s0 =	rddreg [dreg:$0x5]  }
0x172: {  	s0 =	sadd.s32 @!p0 $0x100000, s0  }
0x173: {  	[sflag:s0] =	ssyncadd.tile.s32 @!p0 $0x1;
	_ =	shalt  }
.Lfunc_end2:
_tile_overlayer_lowered:
.L_overlay_start_2:
0x174: {  	(tag) =	ssettag $0x2  }
0x175: {  	s0 =	rddreg [dreg:$0x0];
	s2 =	stileid.u32  }
0x176: {  	s1 =	rddreg [dreg:$0x1];
	p0 =	sne.s32 s2, $0x0  }
0x177: {  	s3 =	rddreg [dreg:$0x2];
	[bflag:$0x3] =	sbarrier.arrive $0xFFFF;
	s2 =	simm.s32 @!p0 $0x1C04  }
0x178: {  	[timem:s3], [sflag:s2] =	dma.local @!p0 [hbm:s0], s1  }
0x179: {  	s0 =	simm.s32 @!p0 $0x4  }
0x17a: {  	_ =	swait.ge @!p0 [sflag:s0], s1  }
0x17b: {  	s1 =	ssub.s32 @!p0 $0x0, s1;
	[sflag:s0] =	ssyncset.done @!p0 $0x0  }
0x17c: {  	[sflag:s0] =	ssyncadd.s32 @!p0 s1  }
0x17d: {  	[bflag:$0x3] =	sbarrier.arrive $0xFFFF  }
0x17e: {  	_ =	shalt  }

</sc_bundles>
